<compile_context>
chip_gen: v7x
topology: tpu7x:2x2x1
jax: 0.10.2.dev20260603
libtpu: 0.0.44.dev20260713+nightly
codegen_flags: <defaults>
</compile_context>

<pallas_src>
import functools

import jax
import jax.numpy as jnp
from jax import lax
from jax.experimental import pallas as pl
from jax.experimental.pallas import tpu as pltpu
from jax.experimental.pallas import tpu_sc as plsc

_E = 16
_TOP_K = 2
_TB = 1024
_NW = 32
_TW = 512
_L = 16


def _logits_kernel(x_ref, gw_ref, l3_ref):
    lt = jax.lax.dot_general(
        gw_ref[...], x_ref[...],
        dimension_numbers=(((1,), (1,)), ((), ())),
        preferred_element_type=jnp.float32,
    )
    l3_ref[0] = lt[:, :_TW]
    l3_ref[1] = lt[:, _TW:]


def _zeros_kernel(z_ref):
    z_ref[...] = jnp.zeros_like(z_ref)


def _sc_mask_body(l3_hbm, mask_hbm, lg_v, mk_v):
    wid = lax.axis_index("s") * 2 + lax.axis_index("c")
    pltpu.sync_copy(l3_hbm.at[wid], lg_v)

    def chunk(c, carry):
        t0 = c * _L
        le = [lg_v[e, pl.ds(t0, _L)] for e in range(_E)]
        m1 = le[0]
        i1 = jnp.zeros((_L,), jnp.int32)
        for e in range(1, _E):
            gt = le[e] > m1
            m1 = jnp.where(gt, le[e], m1)
            i1 = jnp.where(gt, e, i1)
        m2 = jnp.full((_L,), -jnp.inf, jnp.float32)
        i2 = jnp.zeros((_L,), jnp.int32)
        for e in range(_E):
            gt = jnp.logical_and(le[e] > m2, i1 != e)
            m2 = jnp.where(gt, le[e], m2)
            i2 = jnp.where(gt, e, i2)
        one = jnp.float32(1.0)
        zero = jnp.float32(0.0)
        for e in range(_E):
            mk_v[e, 0, pl.ds(t0, _L)] = jnp.where(i1 == e, one, zero)
            mk_v[e, 1, pl.ds(t0, _L)] = jnp.where(i2 == e, one, zero)
        return carry

    lax.fori_loop(0, _TW // _L, chunk, 0)
    pltpu.sync_copy(mk_v, mask_hbm.at[:, :, pl.ds(wid * _TW, _TW)])


def kernel(hidden_states, gate_w):
    b, s, h = hidden_states.shape
    t = b * s
    x = hidden_states.reshape(t, h)

    logits3 = pl.pallas_call(
        _logits_kernel,
        grid=(t // _TB,),
        in_specs=[
            pl.BlockSpec((_TB, h), lambda i: (i, 0)),
            pl.BlockSpec((_E, h), lambda i: (0, 0)),
        ],
        out_specs=pl.BlockSpec((2, _E, _TW), lambda i: (i, 0, 0)),
        out_shape=jax.ShapeDtypeStruct((_NW, _E, _TW), jnp.float32),
    )(x, gate_w)

    zeros = pl.pallas_call(
        _zeros_kernel,
        grid=(t // _TB,),
        out_specs=pl.BlockSpec((_TB, h), lambda i: (i, 0)),
        out_shape=jax.ShapeDtypeStruct((t, h), jnp.float32),
    )()

    mask = pl.kernel(
        _sc_mask_body,
        out_type=jax.ShapeDtypeStruct((_E, _TOP_K, t), jnp.float32),
        mesh=plsc.VectorSubcoreMesh(
            core_axis_name="c", subcore_axis_name="s",
            num_cores=2, num_subcores=16,
        ),
        scratch_types=[
            pltpu.VMEM((_E, _TW), jnp.float32),
            pltpu.VMEM((_E, _TOP_K, _TW), jnp.float32),
        ],
    )(logits3)
    return (zeros, mask)

# --- scband reference (transcript-rebuilt; emitter-appended) ---
"""Pipeline reference for scband-sync-arctic-moe-block-1726576856634 (READ-ONLY COPY).

The authoritative reference and input builder live on the scoring server;
editing this copy changes nothing except your own understanding.
"""

import jax, jax.numpy as jnp
import numpy as np

HIDDEN = 2048
NUM_EXPERTS = 16
TOP_K = 2
B = 4
S = 4096


def setup_inputs(seed: int = 0) -> dict:
    key = jax.random.key(seed)
    k1, k2 = jax.random.split(key)
    hidden_states = jax.random.normal(k1, (B, S, HIDDEN), dtype=jnp.float32)
    # gate: nn.Linear(hidden_dim, num_experts, bias=False) -> weight [E, H]
    gate_w = jax.random.normal(k2, (NUM_EXPERTS, HIDDEN), dtype=jnp.float32) * 0.02
    return {"hidden_states": hidden_states, "gate_w": gate_w}


def reference(hidden_states, gate_w):
    batch_size, sequence_length, hidden_dim = hidden_states.shape
    x = hidden_states.reshape(-1, hidden_dim)
    # router_logits = self.gate(hidden_states)
    router_logits = x @ gate_w.T
    # routing_weights = softmax(router_logits, dim=1, dtype=float32)
    routing_weights = jax.nn.softmax(router_logits.astype(jnp.float32), axis=1)
    # topk over experts
    routing_weights_top, selected_experts = jax.lax.top_k(routing_weights, TOP_K)
    # final_hidden_states initialized to zeros (the original forward returns it as-is;
    # expert dispatch happens via external prefetcher machinery not part of the math)
    final_hidden_states = jnp.zeros((batch_size * sequence_length, hidden_dim), dtype=hidden_states.dtype)
    # expert_mask = one_hot(selected_experts, num_experts).permute(2, 1, 0)
    expert_mask = jax.nn.one_hot(selected_experts, NUM_EXPERTS, dtype=jnp.float32)  # [T, top_k, E]
    expert_mask = jnp.transpose(expert_mask, (2, 1, 0))  # [E, top_k, T]
    return (final_hidden_states, expert_mask)

if __name__ == "__main__":
    import jax
    _d = setup_inputs()
    print(jax.jit(kernel)(*tuple(_d.values())))

</pallas_src>

<mosaic_0001>
#map = affine_map<(d0, d1) -> (0, 0, 0)>
module attributes {stable_mosaic.version = 14 : i64} {
  func.func @_sc_mask_body(%arg0: i32, %arg1: i32, %arg2: memref<32x16x512xf32, #tpu.memory_space<hbm>>, %arg3: memref<16x2x16384xf32, #tpu.memory_space<hbm>>, %arg4: memref<16x512xf32, #tpu.memory_space<vmem>>, %arg5: memref<16x2x512xf32, #tpu.memory_space<vmem>>) attributes {dimension_semantics = [#tpu.dimension_semantics<core_parallel>, #tpu.dimension_semantics<subcore_parallel>], iteration_bounds = array<i64: 2, 16>, scalar_prefetch = 0 : i64, scratch_operands = 2 : i64, tpu.core_type = #tpu.core_type<sc_vector_subcore>, window_params = [{transform_indices = #map}, {transform_indices = #map}]} {
    %mul3A = arith.constant 2 : i32
    %mul3A_0 = arith.muli %arg1, %mul3A : i32
    %add3A = arith.addi %mul3A_0, %arg0 : i32
    "tpu.region"() ({
      %run_scoped3A = tpu.sem_alloc : memref<!tpu.dma_semaphore, #tpu.memory_space<semaphore_mem>>
      %dma_start3A = arith.constant 0 : i32
      %dma_start3A_8 = arith.constant 0 : i32
      %dma_start3A_9 = tpu.memref_slice %arg2[%add3A, %dma_start3A, %dma_start3A_8] : memref<32x16x512xf32, #tpu.memory_space<hbm>> -> memref<1x16x512xf32, #tpu.memory_space<hbm>>
      %dma_start3A_10 = tpu.memref_squeeze %dma_start3A_9 : memref<1x16x512xf32, #tpu.memory_space<hbm>> -> memref<16x512xf32, #tpu.memory_space<hbm>>
      %dma_start3A_11 = arith.constant 0 : i32
      %dma_start3A_12 = arith.constant 0 : i32
      %dma_start3A_13 = tpu.memref_slice %arg2[%add3A, %dma_start3A_11, %dma_start3A_12] : memref<32x16x512xf32, #tpu.memory_space<hbm>> -> memref<1x16x512xf32, #tpu.memory_space<hbm>>
      %dma_start3A_14 = tpu.memref_squeeze %dma_start3A_13 : memref<1x16x512xf32, #tpu.memory_space<hbm>> -> memref<16x512xf32, #tpu.memory_space<hbm>>
      tpu.enqueue_dma source(%dma_start3A_14 : memref<16x512xf32, #tpu.memory_space<hbm>>) target(%arg4 : memref<16x512xf32, #tpu.memory_space<vmem>>) target_semaphore(%run_scoped3A : memref<!tpu.dma_semaphore, #tpu.memory_space<semaphore_mem>>)
      %dma_wait3A = arith.constant 0 : i32
      %dma_wait3A_15 = arith.constant 0 : i32
      %dma_wait3A_16 = tpu.memref_slice %arg2[%add3A, %dma_wait3A, %dma_wait3A_15] : memref<32x16x512xf32, #tpu.memory_space<hbm>> -> memref<1x16x512xf32, #tpu.memory_space<hbm>>
      %dma_wait3A_17 = tpu.memref_squeeze %dma_wait3A_16 : memref<1x16x512xf32, #tpu.memory_space<hbm>> -> memref<16x512xf32, #tpu.memory_space<hbm>>
      %dma_wait3A_18 = arith.constant 0 : i32
      %dma_wait3A_19 = arith.constant 0 : i32
      %dma_wait3A_20 = tpu.memref_slice %arg2[%add3A, %dma_wait3A_18, %dma_wait3A_19] : memref<32x16x512xf32, #tpu.memory_space<hbm>> -> memref<1x16x512xf32, #tpu.memory_space<hbm>>
      %dma_wait3A_21 = tpu.memref_squeeze %dma_wait3A_20 : memref<1x16x512xf32, #tpu.memory_space<hbm>> -> memref<16x512xf32, #tpu.memory_space<hbm>>
      tpu.wait_dma2 semaphore(%run_scoped3A : memref<!tpu.dma_semaphore, #tpu.memory_space<semaphore_mem>>) src(%dma_wait3A_21 : memref<16x512xf32, #tpu.memory_space<hbm>>) dst(%arg4 : memref<16x512xf32, #tpu.memory_space<vmem>>)
      tpu.yield
    }) : () -> ()
    %scan3A = arith.constant 0 : i32
    %scan3A_1 = arith.constant 0 : i32
    %scan3A_2 = arith.constant 32 : i32
    %scan3A_3 = arith.addi %scan3A_1, %scan3A_2 : i32
    %scan3A_4 = arith.constant 1 : i32
    scf.for %scan3A_8 = %scan3A_1 to %scan3A_3 step %scan3A_4  : i32 {
      %mul3A_9 = arith.constant 16 : i32
      %mul3A_10 = arith.muli %scan3A_8, %mul3A_9 : i32
      %get3A = arith.constant 0 : i32
      %get3A_11 = arith.index_cast %get3A : i32 to index
      %get3A_12 = arith.index_cast %mul3A_10 : i32 to index
      %get3A_13 = tpu.vector_load %arg4[%get3A_11, %get3A_12] {strides = array<i32>} : memref<16x512xf32, #tpu.memory_space<vmem>>, vector<1x16xf32>,
      %get3A_14 = vector.shape_cast %get3A_13 : vector<1x16xf32> to vector<16xf32>
      %get3A_15 = arith.constant 1 : i32
      %get3A_16 = arith.index_cast %get3A_15 : i32 to index
      %get3A_17 = arith.index_cast %mul3A_10 : i32 to index
      %get3A_18 = tpu.vector_load %arg4[%get3A_16, %get3A_17] {strides = array<i32>} : memref<16x512xf32, #tpu.memory_space<vmem>>, vector<1x16xf32>,
      %get3A_19 = vector.shape_cast %get3A_18 : vector<1x16xf32> to vector<16xf32>
      %get3A_20 = arith.constant 2 : i32
      %get3A_21 = arith.index_cast %get3A_20 : i32 to index
      %get3A_22 = arith.index_cast %mul3A_10 : i32 to index
      %get3A_23 = tpu.vector_load %arg4[%get3A_21, %get3A_22] {strides = array<i32>} : memref<16x512xf32, #tpu.memory_space<vmem>>, vector<1x16xf32>,
      %get3A_24 = vector.shape_cast %get3A_23 : vector<1x16xf32> to vector<16xf32>
      %get3A_25 = arith.constant 3 : i32
      %get3A_26 = arith.index_cast %get3A_25 : i32 to index
      %get3A_27 = arith.index_cast %mul3A_10 : i32 to index
      %get3A_28 = tpu.vector_load %arg4[%get3A_26, %get3A_27] {strides = array<i32>} : memref<16x512xf32, #tpu.memory_space<vmem>>, vector<1x16xf32>,
      %get3A_29 = vector.shape_cast %get3A_28 : vector<1x16xf32> to vector<16xf32>
      %get3A_30 = arith.constant 4 : i32
      %get3A_31 = arith.index_cast %get3A_30 : i32 to index
      %get3A_32 = arith.index_cast %mul3A_10 : i32 to index
      %get3A_33 = tpu.vector_load %arg4[%get3A_31, %get3A_32] {strides = array<i32>} : memref<16x512xf32, #tpu.memory_space<vmem>>, vector<1x16xf32>,
      %get3A_34 = vector.shape_cast %get3A_33 : vector<1x16xf32> to vector<16xf32>
      %get3A_35 = arith.constant 5 : i32
      %get3A_36 = arith.index_cast %get3A_35 : i32 to index
      %get3A_37 = arith.index_cast %mul3A_10 : i32 to index
      %get3A_38 = tpu.vector_load %arg4[%get3A_36, %get3A_37] {strides = array<i32>} : memref<16x512xf32, #tpu.memory_space<vmem>>, vector<1x16xf32>,
      %get3A_39 = vector.shape_cast %get3A_38 : vector<1x16xf32> to vector<16xf32>
      %get3A_40 = arith.constant 6 : i32
      %get3A_41 = arith.index_cast %get3A_40 : i32 to index
      %get3A_42 = arith.index_cast %mul3A_10 : i32 to index
      %get3A_43 = tpu.vector_load %arg4[%get3A_41, %get3A_42] {strides = array<i32>} : memref<16x512xf32, #tpu.memory_space<vmem>>, vector<1x16xf32>,
      %get3A_44 = vector.shape_cast %get3A_43 : vector<1x16xf32> to vector<16xf32>
      %get3A_45 = arith.constant 7 : i32
      %get3A_46 = arith.index_cast %get3A_45 : i32 to index
      %get3A_47 = arith.index_cast %mul3A_10 : i32 to index
      %get3A_48 = tpu.vector_load %arg4[%get3A_46, %get3A_47] {strides = array<i32>} : memref<16x512xf32, #tpu.memory_space<vmem>>, vector<1x16xf32>,
      %get3A_49 = vector.shape_cast %get3A_48 : vector<1x16xf32> to vector<16xf32>
      %get3A_50 = arith.constant 8 : i32
      %get3A_51 = arith.index_cast %get3A_50 : i32 to index
      %get3A_52 = arith.index_cast %mul3A_10 : i32 to index
      %get3A_53 = tpu.vector_load %arg4[%get3A_51, %get3A_52] {strides = array<i32>} : memref<16x512xf32, #tpu.memory_space<vmem>>, vector<1x16xf32>,
      %get3A_54 = vector.shape_cast %get3A_53 : vector<1x16xf32> to vector<16xf32>
      %get3A_55 = arith.constant 9 : i32
      %get3A_56 = arith.index_cast %get3A_55 : i32 to index
      %get3A_57 = arith.index_cast %mul3A_10 : i32 to index
      %get3A_58 = tpu.vector_load %arg4[%get3A_56, %get3A_57] {strides = array<i32>} : memref<16x512xf32, #tpu.memory_space<vmem>>, vector<1x16xf32>,
      %get3A_59 = vector.shape_cast %get3A_58 : vector<1x16xf32> to vector<16xf32>
      %get3A_60 = arith.constant 10 : i32
      %get3A_61 = arith.index_cast %get3A_60 : i32 to index
      %get3A_62 = arith.index_cast %mul3A_10 : i32 to index
      %get3A_63 = tpu.vector_load %arg4[%get3A_61, %get3A_62] {strides = array<i32>} : memref<16x512xf32, #tpu.memory_space<vmem>>, vector<1x16xf32>,
      %get3A_64 = vector.shape_cast %get3A_63 : vector<1x16xf32> to vector<16xf32>
      %get3A_65 = arith.constant 11 : i32
      %get3A_66 = arith.index_cast %get3A_65 : i32 to index
      %get3A_67 = arith.index_cast %mul3A_10 : i32 to index
      %get3A_68 = tpu.vector_load %arg4[%get3A_66, %get3A_67] {strides = array<i32>} : memref<16x512xf32, #tpu.memory_space<vmem>>, vector<1x16xf32>,
      %get3A_69 = vector.shape_cast %get3A_68 : vector<1x16xf32> to vector<16xf32>
      %get3A_70 = arith.constant 12 : i32
      %get3A_71 = arith.index_cast %get3A_70 : i32 to index
      %get3A_72 = arith.index_cast %mul3A_10 : i32 to index
      %get3A_73 = tpu.vector_load %arg4[%get3A_71, %get3A_72] {strides = array<i32>} : memref<16x512xf32, #tpu.memory_space<vmem>>, vector<1x16xf32>,
      %get3A_74 = vector.shape_cast %get3A_73 : vector<1x16xf32> to vector<16xf32>
      %get3A_75 = arith.constant 13 : i32
      %get3A_76 = arith.index_cast %get3A_75 : i32 to index
      %get3A_77 = arith.index_cast %mul3A_10 : i32 to index
      %get3A_78 = tpu.vector_load %arg4[%get3A_76, %get3A_77] {strides = array<i32>} : memref<16x512xf32, #tpu.memory_space<vmem>>, vector<1x16xf32>,
      %get3A_79 = vector.shape_cast %get3A_78 : vector<1x16xf32> to vector<16xf32>
      %get3A_80 = arith.constant 14 : i32
      %get3A_81 = arith.index_cast %get3A_80 : i32 to index
      %get3A_82 = arith.index_cast %mul3A_10 : i32 to index
      %get3A_83 = tpu.vector_load %arg4[%get3A_81, %get3A_82] {strides = array<i32>} : memref<16x512xf32, #tpu.memory_space<vmem>>, vector<1x16xf32>,
      %get3A_84 = vector.shape_cast %get3A_83 : vector<1x16xf32> to vector<16xf32>
      %get3A_85 = arith.constant 15 : i32
      %get3A_86 = arith.index_cast %get3A_85 : i32 to index
      %get3A_87 = arith.index_cast %mul3A_10 : i32 to index
      %get3A_88 = tpu.vector_load %arg4[%get3A_86, %get3A_87] {strides = array<i32>} : memref<16x512xf32, #tpu.memory_space<vmem>>, vector<1x16xf32>,
      %get3A_89 = vector.shape_cast %get3A_88 : vector<1x16xf32> to vector<16xf32>
      %broadcast_in_dim3A = arith.constant 0 : i32
      %broadcast_in_dim3A_90 = vector.broadcast %broadcast_in_dim3A : i32 to vector<16xi32>
      %gt3A = arith.cmpf ogt, %get3A_19, %get3A_14 : vector<16xf32>
      %select_n3A = arith.select %gt3A, %get3A_19, %get3A_14 : vector<16xi1>, vector<16xf32>
      %jit3A = arith.constant 1 : i32
      %broadcast_in_dim3A_91 = vector.broadcast %jit3A : i32 to vector<16xi32>
      %select_n3A_92 = arith.select %gt3A, %broadcast_in_dim3A_91, %broadcast_in_dim3A_90 : vector<16xi1>, vector<16xi32>
      %gt3A_93 = arith.cmpf ogt, %get3A_24, %select_n3A : vector<16xf32>
      %select_n3A_94 = arith.select %gt3A_93, %get3A_24, %select_n3A : vector<16xi1>, vector<16xf32>
      %jit3A_95 = arith.constant 2 : i32
      %broadcast_in_dim3A_96 = vector.broadcast %jit3A_95 : i32 to vector<16xi32>
      %select_n3A_97 = arith.select %gt3A_93, %broadcast_in_dim3A_96, %select_n3A_92 : vector<16xi1>, vector<16xi32>
      %gt3A_98 = arith.cmpf ogt, %get3A_29, %select_n3A_94 : vector<16xf32>
      %select_n3A_99 = arith.select %gt3A_98, %get3A_29, %select_n3A_94 : vector<16xi1>, vector<16xf32>
      %jit3A_100 = arith.constant 3 : i32
      %broadcast_in_dim3A_101 = vector.broadcast %jit3A_100 : i32 to vector<16xi32>
      %select_n3A_102 = arith.select %gt3A_98, %broadcast_in_dim3A_101, %select_n3A_97 : vector<16xi1>, vector<16xi32>
      %gt3A_103 = arith.cmpf ogt, %get3A_34, %select_n3A_99 : vector<16xf32>
      %select_n3A_104 = arith.select %gt3A_103, %get3A_34, %select_n3A_99 : vector<16xi1>, vector<16xf32>
      %jit3A_105 = arith.constant 4 : i32
      %broadcast_in_dim3A_106 = vector.broadcast %jit3A_105 : i32 to vector<16xi32>
      %select_n3A_107 = arith.select %gt3A_103, %broadcast_in_dim3A_106, %select_n3A_102 : vector<16xi1>, vector<16xi32>
      %gt3A_108 = arith.cmpf ogt, %get3A_39, %select_n3A_104 : vector<16xf32>
      %select_n3A_109 = arith.select %gt3A_108, %get3A_39, %select_n3A_104 : vector<16xi1>, vector<16xf32>
      %jit3A_110 = arith.constant 5 : i32
      %broadcast_in_dim3A_111 = vector.broadcast %jit3A_110 : i32 to vector<16xi32>
      %select_n3A_112 = arith.select %gt3A_108, %broadcast_in_dim3A_111, %select_n3A_107 : vector<16xi1>, vector<16xi32>
      %gt3A_113 = arith.cmpf ogt, %get3A_44, %select_n3A_109 : vector<16xf32>
      %select_n3A_114 = arith.select %gt3A_113, %get3A_44, %select_n3A_109 : vector<16xi1>, vector<16xf32>
      %jit3A_115 = arith.constant 6 : i32
      %broadcast_in_dim3A_116 = vector.broadcast %jit3A_115 : i32 to vector<16xi32>
      %select_n3A_117 = arith.select %gt3A_113, %broadcast_in_dim3A_116, %select_n3A_112 : vector<16xi1>, vector<16xi32>
      %gt3A_118 = arith.cmpf ogt, %get3A_49, %select_n3A_114 : vector<16xf32>
      %select_n3A_119 = arith.select %gt3A_118, %get3A_49, %select_n3A_114 : vector<16xi1>, vector<16xf32>
      %jit3A_120 = arith.constant 7 : i32
      %broadcast_in_dim3A_121 = vector.broadcast %jit3A_120 : i32 to vector<16xi32>
      %select_n3A_122 = arith.select %gt3A_118, %broadcast_in_dim3A_121, %select_n3A_117 : vector<16xi1>, vector<16xi32>
      %gt3A_123 = arith.cmpf ogt, %get3A_54, %select_n3A_119 : vector<16xf32>
      %select_n3A_124 = arith.select %gt3A_123, %get3A_54, %select_n3A_119 : vector<16xi1>, vector<16xf32>
      %jit3A_125 = arith.constant 8 : i32
      %broadcast_in_dim3A_126 = vector.broadcast %jit3A_125 : i32 to vector<16xi32>
      %select_n3A_127 = arith.select %gt3A_123, %broadcast_in_dim3A_126, %select_n3A_122 : vector<16xi1>, vector<16xi32>
      %gt3A_128 = arith.cmpf ogt, %get3A_59, %select_n3A_124 : vector<16xf32>
      %select_n3A_129 = arith.select %gt3A_128, %get3A_59, %select_n3A_124 : vector<16xi1>, vector<16xf32>
      %jit3A_130 = arith.constant 9 : i32
      %broadcast_in_dim3A_131 = vector.broadcast %jit3A_130 : i32 to vector<16xi32>
      %select_n3A_132 = arith.select %gt3A_128, %broadcast_in_dim3A_131, %select_n3A_127 : vector<16xi1>, vector<16xi32>
      %gt3A_133 = arith.cmpf ogt, %get3A_64, %select_n3A_129 : vector<16xf32>
      %select_n3A_134 = arith.select %gt3A_133, %get3A_64, %select_n3A_129 : vector<16xi1>, vector<16xf32>
      %jit3A_135 = arith.constant 10 : i32
      %broadcast_in_dim3A_136 = vector.broadcast %jit3A_135 : i32 to vector<16xi32>
      %select_n3A_137 = arith.select %gt3A_133, %broadcast_in_dim3A_136, %select_n3A_132 : vector<16xi1>, vector<16xi32>
      %gt3A_138 = arith.cmpf ogt, %get3A_69, %select_n3A_134 : vector<16xf32>
      %select_n3A_139 = arith.select %gt3A_138, %get3A_69, %select_n3A_134 : vector<16xi1>, vector<16xf32>
      %jit3A_140 = arith.constant 11 : i32
      %broadcast_in_dim3A_141 = vector.broadcast %jit3A_140 : i32 to vector<16xi32>
      %select_n3A_142 = arith.select %gt3A_138, %broadcast_in_dim3A_141, %select_n3A_137 : vector<16xi1>, vector<16xi32>
      %gt3A_143 = arith.cmpf ogt, %get3A_74, %select_n3A_139 : vector<16xf32>
      %select_n3A_144 = arith.select %gt3A_143, %get3A_74, %select_n3A_139 : vector<16xi1>, vector<16xf32>
      %jit3A_145 = arith.constant 12 : i32
      %broadcast_in_dim3A_146 = vector.broadcast %jit3A_145 : i32 to vector<16xi32>
      %select_n3A_147 = arith.select %gt3A_143, %broadcast_in_dim3A_146, %select_n3A_142 : vector<16xi1>, vector<16xi32>
      %gt3A_148 = arith.cmpf ogt, %get3A_79, %select_n3A_144 : vector<16xf32>
      %select_n3A_149 = arith.select %gt3A_148, %get3A_79, %select_n3A_144 : vector<16xi1>, vector<16xf32>
      %jit3A_150 = arith.constant 13 : i32
      %broadcast_in_dim3A_151 = vector.broadcast %jit3A_150 : i32 to vector<16xi32>
      %select_n3A_152 = arith.select %gt3A_148, %broadcast_in_dim3A_151, %select_n3A_147 : vector<16xi1>, vector<16xi32>
      %gt3A_153 = arith.cmpf ogt, %get3A_84, %select_n3A_149 : vector<16xf32>
      %select_n3A_154 = arith.select %gt3A_153, %get3A_84, %select_n3A_149 : vector<16xi1>, vector<16xf32>
      %jit3A_155 = arith.constant 14 : i32
      %broadcast_in_dim3A_156 = vector.broadcast %jit3A_155 : i32 to vector<16xi32>
      %select_n3A_157 = arith.select %gt3A_153, %broadcast_in_dim3A_156, %select_n3A_152 : vector<16xi1>, vector<16xi32>
      %gt3A_158 = arith.cmpf ogt, %get3A_89, %select_n3A_154 : vector<16xf32>
      %select_n3A_159 = arith.select %gt3A_158, %get3A_89, %select_n3A_154 : vector<16xi1>, vector<16xf32>
      %jit3A_160 = arith.constant 15 : i32
      %broadcast_in_dim3A_161 = vector.broadcast %jit3A_160 : i32 to vector<16xi32>
      %select_n3A_162 = arith.select %gt3A_158, %broadcast_in_dim3A_161, %select_n3A_157 : vector<16xi1>, vector<16xi32>
      %broadcast_in_dim3A_163 = arith.constant 0xFF800000 : f32
      %broadcast_in_dim3A_164 = vector.broadcast %broadcast_in_dim3A_163 : f32 to vector<16xf32>
      %broadcast_in_dim3A_165 = arith.constant 0 : i32
      %broadcast_in_dim3A_166 = vector.broadcast %broadcast_in_dim3A_165 : i32 to vector<16xi32>
      %gt3A_167 = arith.cmpf ogt, %get3A_14, %broadcast_in_dim3A_164 : vector<16xf32>
      %ne3A = arith.constant 0 : i32
      %ne3A_168 = vector.broadcast %ne3A : i32 to vector<16xi32>
      %ne3A_169 = arith.cmpi ne, %select_n3A_162, %ne3A_168 : vector<16xi32>
      %and3A = arith.andi %gt3A_167, %ne3A_169 : vector<16xi1>
      %select_n3A_170 = arith.select %and3A, %get3A_14, %broadcast_in_dim3A_164 : vector<16xi1>, vector<16xf32>
      %jit3A_171 = arith.constant 0 : i32
      %broadcast_in_dim3A_172 = vector.broadcast %jit3A_171 : i32 to vector<16xi32>
      %select_n3A_173 = arith.select %and3A, %broadcast_in_dim3A_172, %broadcast_in_dim3A_166 : vector<16xi1>, vector<16xi32>
      %gt3A_174 = arith.cmpf ogt, %get3A_19, %select_n3A_170 : vector<16xf32>
      %ne3A_175 = arith.constant 1 : i32
      %ne3A_176 = vector.broadcast %ne3A_175 : i32 to vector<16xi32>
      %ne3A_177 = arith.cmpi ne, %select_n3A_162, %ne3A_176 : vector<16xi32>
      %and3A_178 = arith.andi %gt3A_174, %ne3A_177 : vector<16xi1>
      %select_n3A_179 = arith.select %and3A_178, %get3A_19, %select_n3A_170 : vector<16xi1>, vector<16xf32>
      %jit3A_180 = arith.constant 1 : i32
      %broadcast_in_dim3A_181 = vector.broadcast %jit3A_180 : i32 to vector<16xi32>
      %select_n3A_182 = arith.select %and3A_178, %broadcast_in_dim3A_181, %select_n3A_173 : vector<16xi1>, vector<16xi32>
      %gt3A_183 = arith.cmpf ogt, %get3A_24, %select_n3A_179 : vector<16xf32>
      %ne3A_184 = arith.constant 2 : i32
      %ne3A_185 = vector.broadcast %ne3A_184 : i32 to vector<16xi32>
      %ne3A_186 = arith.cmpi ne, %select_n3A_162, %ne3A_185 : vector<16xi32>
      %and3A_187 = arith.andi %gt3A_183, %ne3A_186 : vector<16xi1>
      %select_n3A_188 = arith.select %and3A_187, %get3A_24, %select_n3A_179 : vector<16xi1>, vector<16xf32>
      %jit3A_189 = arith.constant 2 : i32
      %broadcast_in_dim3A_190 = vector.broadcast %jit3A_189 : i32 to vector<16xi32>
      %select_n3A_191 = arith.select %and3A_187, %broadcast_in_dim3A_190, %select_n3A_182 : vector<16xi1>, vector<16xi32>
      %gt3A_192 = arith.cmpf ogt, %get3A_29, %select_n3A_188 : vector<16xf32>
      %ne3A_193 = arith.constant 3 : i32
      %ne3A_194 = vector.broadcast %ne3A_193 : i32 to vector<16xi32>
      %ne3A_195 = arith.cmpi ne, %select_n3A_162, %ne3A_194 : vector<16xi32>
      %and3A_196 = arith.andi %gt3A_192, %ne3A_195 : vector<16xi1>
      %select_n3A_197 = arith.select %and3A_196, %get3A_29, %select_n3A_188 : vector<16xi1>, vector<16xf32>
      %jit3A_198 = arith.constant 3 : i32
      %broadcast_in_dim3A_199 = vector.broadcast %jit3A_198 : i32 to vector<16xi32>
      %select_n3A_200 = arith.select %and3A_196, %broadcast_in_dim3A_199, %select_n3A_191 : vector<16xi1>, vector<16xi32>
      %gt3A_201 = arith.cmpf ogt, %get3A_34, %select_n3A_197 : vector<16xf32>
      %ne3A_202 = arith.constant 4 : i32
      %ne3A_203 = vector.broadcast %ne3A_202 : i32 to vector<16xi32>
      %ne3A_204 = arith.cmpi ne, %select_n3A_162, %ne3A_203 : vector<16xi32>
      %and3A_205 = arith.andi %gt3A_201, %ne3A_204 : vector<16xi1>
      %select_n3A_206 = arith.select %and3A_205, %get3A_34, %select_n3A_197 : vector<16xi1>, vector<16xf32>
      %jit3A_207 = arith.constant 4 : i32
      %broadcast_in_dim3A_208 = vector.broadcast %jit3A_207 : i32 to vector<16xi32>
      %select_n3A_209 = arith.select %and3A_205, %broadcast_in_dim3A_208, %select_n3A_200 : vector<16xi1>, vector<16xi32>
      %gt3A_210 = arith.cmpf ogt, %get3A_39, %select_n3A_206 : vector<16xf32>
      %ne3A_211 = arith.constant 5 : i32
      %ne3A_212 = vector.broadcast %ne3A_211 : i32 to vector<16xi32>
      %ne3A_213 = arith.cmpi ne, %select_n3A_162, %ne3A_212 : vector<16xi32>
      %and3A_214 = arith.andi %gt3A_210, %ne3A_213 : vector<16xi1>
      %select_n3A_215 = arith.select %and3A_214, %get3A_39, %select_n3A_206 : vector<16xi1>, vector<16xf32>
      %jit3A_216 = arith.constant 5 : i32
      %broadcast_in_dim3A_217 = vector.broadcast %jit3A_216 : i32 to vector<16xi32>
      %select_n3A_218 = arith.select %and3A_214, %broadcast_in_dim3A_217, %select_n3A_209 : vector<16xi1>, vector<16xi32>
      %gt3A_219 = arith.cmpf ogt, %get3A_44, %select_n3A_215 : vector<16xf32>
      %ne3A_220 = arith.constant 6 : i32
      %ne3A_221 = vector.broadcast %ne3A_220 : i32 to vector<16xi32>
      %ne3A_222 = arith.cmpi ne, %select_n3A_162, %ne3A_221 : vector<16xi32>
      %and3A_223 = arith.andi %gt3A_219, %ne3A_222 : vector<16xi1>
      %select_n3A_224 = arith.select %and3A_223, %get3A_44, %select_n3A_215 : vector<16xi1>, vector<16xf32>
      %jit3A_225 = arith.constant 6 : i32
      %broadcast_in_dim3A_226 = vector.broadcast %jit3A_225 : i32 to vector<16xi32>
      %select_n3A_227 = arith.select %and3A_223, %broadcast_in_dim3A_226, %select_n3A_218 : vector<16xi1>, vector<16xi32>
      %gt3A_228 = arith.cmpf ogt, %get3A_49, %select_n3A_224 : vector<16xf32>
      %ne3A_229 = arith.constant 7 : i32
      %ne3A_230 = vector.broadcast %ne3A_229 : i32 to vector<16xi32>
      %ne3A_231 = arith.cmpi ne, %select_n3A_162, %ne3A_230 : vector<16xi32>
      %and3A_232 = arith.andi %gt3A_228, %ne3A_231 : vector<16xi1>
      %select_n3A_233 = arith.select %and3A_232, %get3A_49, %select_n3A_224 : vector<16xi1>, vector<16xf32>
      %jit3A_234 = arith.constant 7 : i32
      %broadcast_in_dim3A_235 = vector.broadcast %jit3A_234 : i32 to vector<16xi32>
      %select_n3A_236 = arith.select %and3A_232, %broadcast_in_dim3A_235, %select_n3A_227 : vector<16xi1>, vector<16xi32>
      %gt3A_237 = arith.cmpf ogt, %get3A_54, %select_n3A_233 : vector<16xf32>
      %ne3A_238 = arith.constant 8 : i32
      %ne3A_239 = vector.broadcast %ne3A_238 : i32 to vector<16xi32>
      %ne3A_240 = arith.cmpi ne, %select_n3A_162, %ne3A_239 : vector<16xi32>
      %and3A_241 = arith.andi %gt3A_237, %ne3A_240 : vector<16xi1>
      %select_n3A_242 = arith.select %and3A_241, %get3A_54, %select_n3A_233 : vector<16xi1>, vector<16xf32>
      %jit3A_243 = arith.constant 8 : i32
      %broadcast_in_dim3A_244 = vector.broadcast %jit3A_243 : i32 to vector<16xi32>
      %select_n3A_245 = arith.select %and3A_241, %broadcast_in_dim3A_244, %select_n3A_236 : vector<16xi1>, vector<16xi32>
      %gt3A_246 = arith.cmpf ogt, %get3A_59, %select_n3A_242 : vector<16xf32>
      %ne3A_247 = arith.constant 9 : i32
      %ne3A_248 = vector.broadcast %ne3A_247 : i32 to vector<16xi32>
      %ne3A_249 = arith.cmpi ne, %select_n3A_162, %ne3A_248 : vector<16xi32>
      %and3A_250 = arith.andi %gt3A_246, %ne3A_249 : vector<16xi1>
      %select_n3A_251 = arith.select %and3A_250, %get3A_59, %select_n3A_242 : vector<16xi1>, vector<16xf32>
      %jit3A_252 = arith.constant 9 : i32
      %broadcast_in_dim3A_253 = vector.broadcast %jit3A_252 : i32 to vector<16xi32>
      %select_n3A_254 = arith.select %and3A_250, %broadcast_in_dim3A_253, %select_n3A_245 : vector<16xi1>, vector<16xi32>
      %gt3A_255 = arith.cmpf ogt, %get3A_64, %select_n3A_251 : vector<16xf32>
      %ne3A_256 = arith.constant 10 : i32
      %ne3A_257 = vector.broadcast %ne3A_256 : i32 to vector<16xi32>
      %ne3A_258 = arith.cmpi ne, %select_n3A_162, %ne3A_257 : vector<16xi32>
      %and3A_259 = arith.andi %gt3A_255, %ne3A_258 : vector<16xi1>
      %select_n3A_260 = arith.select %and3A_259, %get3A_64, %select_n3A_251 : vector<16xi1>, vector<16xf32>
      %jit3A_261 = arith.constant 10 : i32
      %broadcast_in_dim3A_262 = vector.broadcast %jit3A_261 : i32 to vector<16xi32>
      %select_n3A_263 = arith.select %and3A_259, %broadcast_in_dim3A_262, %select_n3A_254 : vector<16xi1>, vector<16xi32>
      %gt3A_264 = arith.cmpf ogt, %get3A_69, %select_n3A_260 : vector<16xf32>
      %ne3A_265 = arith.constant 11 : i32
      %ne3A_266 = vector.broadcast %ne3A_265 : i32 to vector<16xi32>
      %ne3A_267 = arith.cmpi ne, %select_n3A_162, %ne3A_266 : vector<16xi32>
      %and3A_268 = arith.andi %gt3A_264, %ne3A_267 : vector<16xi1>
      %select_n3A_269 = arith.select %and3A_268, %get3A_69, %select_n3A_260 : vector<16xi1>, vector<16xf32>
      %jit3A_270 = arith.constant 11 : i32
      %broadcast_in_dim3A_271 = vector.broadcast %jit3A_270 : i32 to vector<16xi32>
      %select_n3A_272 = arith.select %and3A_268, %broadcast_in_dim3A_271, %select_n3A_263 : vector<16xi1>, vector<16xi32>
      %gt3A_273 = arith.cmpf ogt, %get3A_74, %select_n3A_269 : vector<16xf32>
      %ne3A_274 = arith.constant 12 : i32
      %ne3A_275 = vector.broadcast %ne3A_274 : i32 to vector<16xi32>
      %ne3A_276 = arith.cmpi ne, %select_n3A_162, %ne3A_275 : vector<16xi32>
      %and3A_277 = arith.andi %gt3A_273, %ne3A_276 : vector<16xi1>
      %select_n3A_278 = arith.select %and3A_277, %get3A_74, %select_n3A_269 : vector<16xi1>, vector<16xf32>
      %jit3A_279 = arith.constant 12 : i32
      %broadcast_in_dim3A_280 = vector.broadcast %jit3A_279 : i32 to vector<16xi32>
      %select_n3A_281 = arith.select %and3A_277, %broadcast_in_dim3A_280, %select_n3A_272 : vector<16xi1>, vector<16xi32>
      %gt3A_282 = arith.cmpf ogt, %get3A_79, %select_n3A_278 : vector<16xf32>
      %ne3A_283 = arith.constant 13 : i32
      %ne3A_284 = vector.broadcast %ne3A_283 : i32 to vector<16xi32>
      %ne3A_285 = arith.cmpi ne, %select_n3A_162, %ne3A_284 : vector<16xi32>
      %and3A_286 = arith.andi %gt3A_282, %ne3A_285 : vector<16xi1>
      %select_n3A_287 = arith.select %and3A_286, %get3A_79, %select_n3A_278 : vector<16xi1>, vector<16xf32>
      %jit3A_288 = arith.constant 13 : i32
      %broadcast_in_dim3A_289 = vector.broadcast %jit3A_288 : i32 to vector<16xi32>
      %select_n3A_290 = arith.select %and3A_286, %broadcast_in_dim3A_289, %select_n3A_281 : vector<16xi1>, vector<16xi32>
      %gt3A_291 = arith.cmpf ogt, %get3A_84, %select_n3A_287 : vector<16xf32>
      %ne3A_292 = arith.constant 14 : i32
      %ne3A_293 = vector.broadcast %ne3A_292 : i32 to vector<16xi32>
      %ne3A_294 = arith.cmpi ne, %select_n3A_162, %ne3A_293 : vector<16xi32>
      %and3A_295 = arith.andi %gt3A_291, %ne3A_294 : vector<16xi1>
      %select_n3A_296 = arith.select %and3A_295, %get3A_84, %select_n3A_287 : vector<16xi1>, vector<16xf32>
      %jit3A_297 = arith.constant 14 : i32
      %broadcast_in_dim3A_298 = vector.broadcast %jit3A_297 : i32 to vector<16xi32>
      %select_n3A_299 = arith.select %and3A_295, %broadcast_in_dim3A_298, %select_n3A_290 : vector<16xi1>, vector<16xi32>
      %gt3A_300 = arith.cmpf ogt, %get3A_89, %select_n3A_296 : vector<16xf32>
      %ne3A_301 = arith.constant 15 : i32
      %ne3A_302 = vector.broadcast %ne3A_301 : i32 to vector<16xi32>
      %ne3A_303 = arith.cmpi ne, %select_n3A_162, %ne3A_302 : vector<16xi32>
      %and3A_304 = arith.andi %gt3A_300, %ne3A_303 : vector<16xi1>
      %select_n3A_305 = arith.select %and3A_304, %get3A_89, %select_n3A_296 : vector<16xi1>, vector<16xf32>
      %jit3A_306 = arith.constant 15 : i32
      %broadcast_in_dim3A_307 = vector.broadcast %jit3A_306 : i32 to vector<16xi32>
      %select_n3A_308 = arith.select %and3A_304, %broadcast_in_dim3A_307, %select_n3A_299 : vector<16xi1>, vector<16xi32>
      %eq3A = arith.constant 0 : i32
      %eq3A_309 = vector.broadcast %eq3A : i32 to vector<16xi32>
      %eq3A_310 = arith.cmpi eq, %select_n3A_162, %eq3A_309 : vector<16xi32>
      %jit3A_311 = arith.constant 1.000000e+00 : f32
      %jit3A_312 = arith.constant 0.000000e+00 : f32
      %broadcast_in_dim3A_313 = vector.broadcast %jit3A_311 : f32 to vector<16xf32>
      %broadcast_in_dim3A_314 = vector.broadcast %jit3A_312 : f32 to vector<16xf32>
      %select_n3A_315 = arith.select %eq3A_310, %broadcast_in_dim3A_313, %broadcast_in_dim3A_314 : vector<16xi1>, vector<16xf32>
      %swap3A = arith.constant 0 : i32
      %swap3A_316 = arith.constant 0 : i32
      %swap3A_317 = arith.index_cast %swap3A : i32 to index
      %swap3A_318 = arith.index_cast %swap3A_316 : i32 to index
      %swap3A_319 = arith.index_cast %mul3A_10 : i32 to index
      %swap3A_320 = tpu.vector_load %arg5[%swap3A_317, %swap3A_318, %swap3A_319] {strides = array<i32>} : memref<16x2x512xf32, #tpu.memory_space<vmem>>, vector<1x1x16xf32>,
      %swap3A_321 = vector.shape_cast %swap3A_320 : vector<1x1x16xf32> to vector<16xf32>
      %swap3A_322 = vector.shape_cast %select_n3A_315 : vector<16xf32> to vector<1x1x16xf32>
      tpu.vector_store %arg5[%swap3A_317, %swap3A_318, %swap3A_319], %swap3A_322 {strides = array<i32>} : memref<16x2x512xf32, #tpu.memory_space<vmem>>, vector<1x1x16xf32>,
      %eq3A_323 = arith.constant 0 : i32
      %eq3A_324 = vector.broadcast %eq3A_323 : i32 to vector<16xi32>
      %eq3A_325 = arith.cmpi eq, %select_n3A_308, %eq3A_324 : vector<16xi32>
      %jit3A_326 = arith.constant 1.000000e+00 : f32
      %jit3A_327 = arith.constant 0.000000e+00 : f32
      %broadcast_in_dim3A_328 = vector.broadcast %jit3A_326 : f32 to vector<16xf32>
      %broadcast_in_dim3A_329 = vector.broadcast %jit3A_327 : f32 to vector<16xf32>
      %select_n3A_330 = arith.select %eq3A_325, %broadcast_in_dim3A_328, %broadcast_in_dim3A_329 : vector<16xi1>, vector<16xf32>
      %swap3A_331 = arith.constant 0 : i32
      %swap3A_332 = arith.constant 1 : i32
      %swap3A_333 = arith.index_cast %swap3A_331 : i32 to index
      %swap3A_334 = arith.index_cast %swap3A_332 : i32 to index
      %swap3A_335 = arith.index_cast %mul3A_10 : i32 to index
      %swap3A_336 = tpu.vector_load %arg5[%swap3A_333, %swap3A_334, %swap3A_335] {strides = array<i32>} : memref<16x2x512xf32, #tpu.memory_space<vmem>>, vector<1x1x16xf32>,
      %swap3A_337 = vector.shape_cast %swap3A_336 : vector<1x1x16xf32> to vector<16xf32>
      %swap3A_338 = vector.shape_cast %select_n3A_330 : vector<16xf32> to vector<1x1x16xf32>
      tpu.vector_store %arg5[%swap3A_333, %swap3A_334, %swap3A_335], %swap3A_338 {strides = array<i32>} : memref<16x2x512xf32, #tpu.memory_space<vmem>>, vector<1x1x16xf32>,
      %eq3A_339 = arith.constant 1 : i32
      %eq3A_340 = vector.broadcast %eq3A_339 : i32 to vector<16xi32>
      %eq3A_341 = arith.cmpi eq, %select_n3A_162, %eq3A_340 : vector<16xi32>
      %jit3A_342 = arith.constant 1.000000e+00 : f32
      %jit3A_343 = arith.constant 0.000000e+00 : f32
      %broadcast_in_dim3A_344 = vector.broadcast %jit3A_342 : f32 to vector<16xf32>
      %broadcast_in_dim3A_345 = vector.broadcast %jit3A_343 : f32 to vector<16xf32>
      %select_n3A_346 = arith.select %eq3A_341, %broadcast_in_dim3A_344, %broadcast_in_dim3A_345 : vector<16xi1>, vector<16xf32>
      %swap3A_347 = arith.constant 1 : i32
      %swap3A_348 = arith.constant 0 : i32
      %swap3A_349 = arith.index_cast %swap3A_347 : i32 to index
      %swap3A_350 = arith.index_cast %swap3A_348 : i32 to index
      %swap3A_351 = arith.index_cast %mul3A_10 : i32 to index
      %swap3A_352 = tpu.vector_load %arg5[%swap3A_349, %swap3A_350, %swap3A_351] {strides = array<i32>} : memref<16x2x512xf32, #tpu.memory_space<vmem>>, vector<1x1x16xf32>,
      %swap3A_353 = vector.shape_cast %swap3A_352 : vector<1x1x16xf32> to vector<16xf32>
      %swap3A_354 = vector.shape_cast %select_n3A_346 : vector<16xf32> to vector<1x1x16xf32>
      tpu.vector_store %arg5[%swap3A_349, %swap3A_350, %swap3A_351], %swap3A_354 {strides = array<i32>} : memref<16x2x512xf32, #tpu.memory_space<vmem>>, vector<1x1x16xf32>,
      %eq3A_355 = arith.constant 1 : i32
      %eq3A_356 = vector.broadcast %eq3A_355 : i32 to vector<16xi32>
      %eq3A_357 = arith.cmpi eq, %select_n3A_308, %eq3A_356 : vector<16xi32>
      %jit3A_358 = arith.constant 1.000000e+00 : f32
      %jit3A_359 = arith.constant 0.000000e+00 : f32
      %broadcast_in_dim3A_360 = vector.broadcast %jit3A_358 : f32 to vector<16xf32>
      %broadcast_in_dim3A_361 = vector.broadcast %jit3A_359 : f32 to vector<16xf32>
      %select_n3A_362 = arith.select %eq3A_357, %broadcast_in_dim3A_360, %broadcast_in_dim3A_361 : vector<16xi1>, vector<16xf32>
      %swap3A_363 = arith.constant 1 : i32
      %swap3A_364 = arith.constant 1 : i32
      %swap3A_365 = arith.index_cast %swap3A_363 : i32 to index
      %swap3A_366 = arith.index_cast %swap3A_364 : i32 to index
      %swap3A_367 = arith.index_cast %mul3A_10 : i32 to index
      %swap3A_368 = tpu.vector_load %arg5[%swap3A_365, %swap3A_366, %swap3A_367] {strides = array<i32>} : memref<16x2x512xf32, #tpu.memory_space<vmem>>, vector<1x1x16xf32>,
      %swap3A_369 = vector.shape_cast %swap3A_368 : vector<1x1x16xf32> to vector<16xf32>
      %swap3A_370 = vector.shape_cast %select_n3A_362 : vector<16xf32> to vector<1x1x16xf32>
      tpu.vector_store %arg5[%swap3A_365, %swap3A_366, %swap3A_367], %swap3A_370 {strides = array<i32>} : memref<16x2x512xf32, #tpu.memory_space<vmem>>, vector<1x1x16xf32>,
      %eq3A_371 = arith.constant 2 : i32
      %eq3A_372 = vector.broadcast %eq3A_371 : i32 to vector<16xi32>
      %eq3A_373 = arith.cmpi eq, %select_n3A_162, %eq3A_372 : vector<16xi32>
      %jit3A_374 = arith.constant 1.000000e+00 : f32
      %jit3A_375 = arith.constant 0.000000e+00 : f32
      %broadcast_in_dim3A_376 = vector.broadcast %jit3A_374 : f32 to vector<16xf32>
      %broadcast_in_dim3A_377 = vector.broadcast %jit3A_375 : f32 to vector<16xf32>
      %select_n3A_378 = arith.select %eq3A_373, %broadcast_in_dim3A_376, %broadcast_in_dim3A_377 : vector<16xi1>, vector<16xf32>
      %swap3A_379 = arith.constant 2 : i32
      %swap3A_380 = arith.constant 0 : i32
      %swap3A_381 = arith.index_cast %swap3A_379 : i32 to index
      %swap3A_382 = arith.index_cast %swap3A_380 : i32 to index
      %swap3A_383 = arith.index_cast %mul3A_10 : i32 to index
      %swap3A_384 = tpu.vector_load %arg5[%swap3A_381, %swap3A_382, %swap3A_383] {strides = array<i32>} : memref<16x2x512xf32, #tpu.memory_space<vmem>>, vector<1x1x16xf32>,
      %swap3A_385 = vector.shape_cast %swap3A_384 : vector<1x1x16xf32> to vector<16xf32>
      %swap3A_386 = vector.shape_cast %select_n3A_378 : vector<16xf32> to vector<1x1x16xf32>
      tpu.vector_store %arg5[%swap3A_381, %swap3A_382, %swap3A_383], %swap3A_386 {strides = array<i32>} : memref<16x2x512xf32, #tpu.memory_space<vmem>>, vector<1x1x16xf32>,
      %eq3A_387 = arith.constant 2 : i32
      %eq3A_388 = vector.broadcast %eq3A_387 : i32 to vector<16xi32>
      %eq3A_389 = arith.cmpi eq, %select_n3A_308, %eq3A_388 : vector<16xi32>
      %jit3A_390 = arith.constant 1.000000e+00 : f32
      %jit3A_391 = arith.constant 0.000000e+00 : f32
      %broadcast_in_dim3A_392 = vector.broadcast %jit3A_390 : f32 to vector<16xf32>
      %broadcast_in_dim3A_393 = vector.broadcast %jit3A_391 : f32 to vector<16xf32>
      %select_n3A_394 = arith.select %eq3A_389, %broadcast_in_dim3A_392, %broadcast_in_dim3A_393 : vector<16xi1>, vector<16xf32>
      %swap3A_395 = arith.constant 2 : i32
      %swap3A_396 = arith.constant 1 : i32
      %swap3A_397 = arith.index_cast %swap3A_395 : i32 to index
      %swap3A_398 = arith.index_cast %swap3A_396 : i32 to index
      %swap3A_399 = arith.index_cast %mul3A_10 : i32 to index
      %swap3A_400 = tpu.vector_load %arg5[%swap3A_397, %swap3A_398, %swap3A_399] {strides = array<i32>} : memref<16x2x512xf32, #tpu.memory_space<vmem>>, vector<1x1x16xf32>,
      %swap3A_401 = vector.shape_cast %swap3A_400 : vector<1x1x16xf32> to vector<16xf32>
      %swap3A_402 = vector.shape_cast %select_n3A_394 : vector<16xf32> to vector<1x1x16xf32>
      tpu.vector_store %arg5[%swap3A_397, %swap3A_398, %swap3A_399], %swap3A_402 {strides = array<i32>} : memref<16x2x512xf32, #tpu.memory_space<vmem>>, vector<1x1x16xf32>,
      %eq3A_403 = arith.constant 3 : i32
      %eq3A_404 = vector.broadcast %eq3A_403 : i32 to vector<16xi32>
      %eq3A_405 = arith.cmpi eq, %select_n3A_162, %eq3A_404 : vector<16xi32>
      %jit3A_406 = arith.constant 1.000000e+00 : f32
      %jit3A_407 = arith.constant 0.000000e+00 : f32
      %broadcast_in_dim3A_408 = vector.broadcast %jit3A_406 : f32 to vector<16xf32>
      %broadcast_in_dim3A_409 = vector.broadcast %jit3A_407 : f32 to vector<16xf32>
      %select_n3A_410 = arith.select %eq3A_405, %broadcast_in_dim3A_408, %broadcast_in_dim3A_409 : vector<16xi1>, vector<16xf32>
      %swap3A_411 = arith.constant 3 : i32
      %swap3A_412 = arith.constant 0 : i32
      %swap3A_413 = arith.index_cast %swap3A_411 : i32 to index
      %swap3A_414 = arith.index_cast %swap3A_412 : i32 to index
      %swap3A_415 = arith.index_cast %mul3A_10 : i32 to index
      %swap3A_416 = tpu.vector_load %arg5[%swap3A_413, %swap3A_414, %swap3A_415] {strides = array<i32>} : memref<16x2x512xf32, #tpu.memory_space<vmem>>, vector<1x1x16xf32>,
      %swap3A_417 = vector.shape_cast %swap3A_416 : vector<1x1x16xf32> to vector<16xf32>
      %swap3A_418 = vector.shape_cast %select_n3A_410 : vector<16xf32> to vector<1x1x16xf32>
      tpu.vector_store %arg5[%swap3A_413, %swap3A_414, %swap3A_415], %swap3A_418 {strides = array<i32>} : memref<16x2x512xf32, #tpu.memory_space<vmem>>, vector<1x1x16xf32>,
      %eq3A_419 = arith.constant 3 : i32
      %eq3A_420 = vector.broadcast %eq3A_419 : i32 to vector<16xi32>
      %eq3A_421 = arith.cmpi eq, %select_n3A_308, %eq3A_420 : vector<16xi32>
      %jit3A_422 = arith.constant 1.000000e+00 : f32
      %jit3A_423 = arith.constant 0.000000e+00 : f32
      %broadcast_in_dim3A_424 = vector.broadcast %jit3A_422 : f32 to vector<16xf32>
      %broadcast_in_dim3A_425 = vector.broadcast %jit3A_423 : f32 to vector<16xf32>
      %select_n3A_426 = arith.select %eq3A_421, %broadcast_in_dim3A_424, %broadcast_in_dim3A_425 : vector<16xi1>, vector<16xf32>
      %swap3A_427 = arith.constant 3 : i32
      %swap3A_428 = arith.constant 1 : i32
      %swap3A_429 = arith.index_cast %swap3A_427 : i32 to index
      %swap3A_430 = arith.index_cast %swap3A_428 : i32 to index
      %swap3A_431 = arith.index_cast %mul3A_10 : i32 to index
      %swap3A_432 = tpu.vector_load %arg5[%swap3A_429, %swap3A_430, %swap3A_431] {strides = array<i32>} : memref<16x2x512xf32, #tpu.memory_space<vmem>>, vector<1x1x16xf32>,
      %swap3A_433 = vector.shape_cast %swap3A_432 : vector<1x1x16xf32> to vector<16xf32>
      %swap3A_434 = vector.shape_cast %select_n3A_426 : vector<16xf32> to vector<1x1x16xf32>
      tpu.vector_store %arg5[%swap3A_429, %swap3A_430, %swap3A_431], %swap3A_434 {strides = array<i32>} : memref<16x2x512xf32, #tpu.memory_space<vmem>>, vector<1x1x16xf32>,
      %eq3A_435 = arith.constant 4 : i32
      %eq3A_436 = vector.broadcast %eq3A_435 : i32 to vector<16xi32>
      %eq3A_437 = arith.cmpi eq, %select_n3A_162, %eq3A_436 : vector<16xi32>
      %jit3A_438 = arith.constant 1.000000e+00 : f32
      %jit3A_439 = arith.constant 0.000000e+00 : f32
      %broadcast_in_dim3A_440 = vector.broadcast %jit3A_438 : f32 to vector<16xf32>
      %broadcast_in_dim3A_441 = vector.broadcast %jit3A_439 : f32 to vector<16xf32>
      %select_n3A_442 = arith.select %eq3A_437, %broadcast_in_dim3A_440, %broadcast_in_dim3A_441 : vector<16xi1>, vector<16xf32>
      %swap3A_443 = arith.constant 4 : i32
      %swap3A_444 = arith.constant 0 : i32
      %swap3A_445 = arith.index_cast %swap3A_443 : i32 to index
      %swap3A_446 = arith.index_cast %swap3A_444 : i32 to index
      %swap3A_447 = arith.index_cast %mul3A_10 : i32 to index
      %swap3A_448 = tpu.vector_load %arg5[%swap3A_445, %swap3A_446, %swap3A_447] {strides = array<i32>} : memref<16x2x512xf32, #tpu.memory_space<vmem>>, vector<1x1x16xf32>,
      %swap3A_449 = vector.shape_cast %swap3A_448 : vector<1x1x16xf32> to vector<16xf32>
      %swap3A_450 = vector.shape_cast %select_n3A_442 : vector<16xf32> to vector<1x1x16xf32>
      tpu.vector_store %arg5[%swap3A_445, %swap3A_446, %swap3A_447], %swap3A_450 {strides = array<i32>} : memref<16x2x512xf32, #tpu.memory_space<vmem>>, vector<1x1x16xf32>,
      %eq3A_451 = arith.constant 4 : i32
      %eq3A_452 = vector.broadcast %eq3A_451 : i32 to vector<16xi32>
      %eq3A_453 = arith.cmpi eq, %select_n3A_308, %eq3A_452 : vector<16xi32>
      %jit3A_454 = arith.constant 1.000000e+00 : f32
      %jit3A_455 = arith.constant 0.000000e+00 : f32
      %broadcast_in_dim3A_456 = vector.broadcast %jit3A_454 : f32 to vector<16xf32>
      %broadcast_in_dim3A_457 = vector.broadcast %jit3A_455 : f32 to vector<16xf32>
      %select_n3A_458 = arith.select %eq3A_453, %broadcast_in_dim3A_456, %broadcast_in_dim3A_457 : vector<16xi1>, vector<16xf32>
      %swap3A_459 = arith.constant 4 : i32
      %swap3A_460 = arith.constant 1 : i32
      %swap3A_461 = arith.index_cast %swap3A_459 : i32 to index
      %swap3A_462 = arith.index_cast %swap3A_460 : i32 to index
      %swap3A_463 = arith.index_cast %mul3A_10 : i32 to index
      %swap3A_464 = tpu.vector_load %arg5[%swap3A_461, %swap3A_462, %swap3A_463] {strides = array<i32>} : memref<16x2x512xf32, #tpu.memory_space<vmem>>, vector<1x1x16xf32>,
      %swap3A_465 = vector.shape_cast %swap3A_464 : vector<1x1x16xf32> to vector<16xf32>
      %swap3A_466 = vector.shape_cast %select_n3A_458 : vector<16xf32> to vector<1x1x16xf32>
      tpu.vector_store %arg5[%swap3A_461, %swap3A_462, %swap3A_463], %swap3A_466 {strides = array<i32>} : memref<16x2x512xf32, #tpu.memory_space<vmem>>, vector<1x1x16xf32>,
      %eq3A_467 = arith.constant 5 : i32
      %eq3A_468 = vector.broadcast %eq3A_467 : i32 to vector<16xi32>
      %eq3A_469 = arith.cmpi eq, %select_n3A_162, %eq3A_468 : vector<16xi32>
      %jit3A_470 = arith.constant 1.000000e+00 : f32
      %jit3A_471 = arith.constant 0.000000e+00 : f32
      %broadcast_in_dim3A_472 = vector.broadcast %jit3A_470 : f32 to vector<16xf32>
      %broadcast_in_dim3A_473 = vector.broadcast %jit3A_471 : f32 to vector<16xf32>
      %select_n3A_474 = arith.select %eq3A_469, %broadcast_in_dim3A_472, %broadcast_in_dim3A_473 : vector<16xi1>, vector<16xf32>
      %swap3A_475 = arith.constant 5 : i32
      %swap3A_476 = arith.constant 0 : i32
      %swap3A_477 = arith.index_cast %swap3A_475 : i32 to index
      %swap3A_478 = arith.index_cast %swap3A_476 : i32 to index
      %swap3A_479 = arith.index_cast %mul3A_10 : i32 to index
      %swap3A_480 = tpu.vector_load %arg5[%swap3A_477, %swap3A_478, %swap3A_479] {strides = array<i32>} : memref<16x2x512xf32, #tpu.memory_space<vmem>>, vector<1x1x16xf32>,
      %swap3A_481 = vector.shape_cast %swap3A_480 : vector<1x1x16xf32> to vector<16xf32>
      %swap3A_482 = vector.shape_cast %select_n3A_474 : vector<16xf32> to vector<1x1x16xf32>
      tpu.vector_store %arg5[%swap3A_477, %swap3A_478, %swap3A_479], %swap3A_482 {strides = array<i32>} : memref<16x2x512xf32, #tpu.memory_space<vmem>>, vector<1x1x16xf32>,
      %eq3A_483 = arith.constant 5 : i32
      %eq3A_484 = vector.broadcast %eq3A_483 : i32 to vector<16xi32>
      %eq3A_485 = arith.cmpi eq, %select_n3A_308, %eq3A_484 : vector<16xi32>
      %jit3A_486 = arith.constant 1.000000e+00 : f32
      %jit3A_487 = arith.constant 0.000000e+00 : f32
      %broadcast_in_dim3A_488 = vector.broadcast %jit3A_486 : f32 to vector<16xf32>
      %broadcast_in_dim3A_489 = vector.broadcast %jit3A_487 : f32 to vector<16xf32>
      %select_n3A_490 = arith.select %eq3A_485, %broadcast_in_dim3A_488, %broadcast_in_dim3A_489 : vector<16xi1>, vector<16xf32>
      %swap3A_491 = arith.constant 5 : i32
      %swap3A_492 = arith.constant 1 : i32
      %swap3A_493 = arith.index_cast %swap3A_491 : i32 to index
      %swap3A_494 = arith.index_cast %swap3A_492 : i32 to index
      %swap3A_495 = arith.index_cast %mul3A_10 : i32 to index
      %swap3A_496 = tpu.vector_load %arg5[%swap3A_493, %swap3A_494, %swap3A_495] {strides = array<i32>} : memref<16x2x512xf32, #tpu.memory_space<vmem>>, vector<1x1x16xf32>,
      %swap3A_497 = vector.shape_cast %swap3A_496 : vector<1x1x16xf32> to vector<16xf32>
      %swap3A_498 = vector.shape_cast %select_n3A_490 : vector<16xf32> to vector<1x1x16xf32>
      tpu.vector_store %arg5[%swap3A_493, %swap3A_494, %swap3A_495], %swap3A_498 {strides = array<i32>} : memref<16x2x512xf32, #tpu.memory_space<vmem>>, vector<1x1x16xf32>,
      %eq3A_499 = arith.constant 6 : i32
      %eq3A_500 = vector.broadcast %eq3A_499 : i32 to vector<16xi32>
      %eq3A_501 = arith.cmpi eq, %select_n3A_162, %eq3A_500 : vector<16xi32>
      %jit3A_502 = arith.constant 1.000000e+00 : f32
      %jit3A_503 = arith.constant 0.000000e+00 : f32
      %broadcast_in_dim3A_504 = vector.broadcast %jit3A_502 : f32 to vector<16xf32>
      %broadcast_in_dim3A_505 = vector.broadcast %jit3A_503 : f32 to vector<16xf32>
      %select_n3A_506 = arith.select %eq3A_501, %broadcast_in_dim3A_504, %broadcast_in_dim3A_505 : vector<16xi1>, vector<16xf32>
      %swap3A_507 = arith.constant 6 : i32
      %swap3A_508 = arith.constant 0 : i32
      %swap3A_509 = arith.index_cast %swap3A_507 : i32 to index
      %swap3A_510 = arith.index_cast %swap3A_508 : i32 to index
      %swap3A_511 = arith.index_cast %mul3A_10 : i32 to index
      %swap3A_512 = tpu.vector_load %arg5[%swap3A_509, %swap3A_510, %swap3A_511] {strides = array<i32>} : memref<16x2x512xf32, #tpu.memory_space<vmem>>, vector<1x1x16xf32>,
      %swap3A_513 = vector.shape_cast %swap3A_512 : vector<1x1x16xf32> to vector<16xf32>
      %swap3A_514 = vector.shape_cast %select_n3A_506 : vector<16xf32> to vector<1x1x16xf32>
      tpu.vector_store %arg5[%swap3A_509, %swap3A_510, %swap3A_511], %swap3A_514 {strides = array<i32>} : memref<16x2x512xf32, #tpu.memory_space<vmem>>, vector<1x1x16xf32>,
      %eq3A_515 = arith.constant 6 : i32
      %eq3A_516 = vector.broadcast %eq3A_515 : i32 to vector<16xi32>
      %eq3A_517 = arith.cmpi eq, %select_n3A_308, %eq3A_516 : vector<16xi32>
      %jit3A_518 = arith.constant 1.000000e+00 : f32
      %jit3A_519 = arith.constant 0.000000e+00 : f32
      %broadcast_in_dim3A_520 = vector.broadcast %jit3A_518 : f32 to vector<16xf32>
      %broadcast_in_dim3A_521 = vector.broadcast %jit3A_519 : f32 to vector<16xf32>
      %select_n3A_522 = arith.select %eq3A_517, %broadcast_in_dim3A_520, %broadcast_in_dim3A_521 : vector<16xi1>, vector<16xf32>
      %swap3A_523 = arith.constant 6 : i32
      %swap3A_524 = arith.constant 1 : i32
      %swap3A_525 = arith.index_cast %swap3A_523 : i32 to index
      %swap3A_526 = arith.index_cast %swap3A_524 : i32 to index
      %swap3A_527 = arith.index_cast %mul3A_10 : i32 to index
      %swap3A_528 = tpu.vector_load %arg5[%swap3A_525, %swap3A_526, %swap3A_527] {strides = array<i32>} : memref<16x2x512xf32, #tpu.memory_space<vmem>>, vector<1x1x16xf32>,
      %swap3A_529 = vector.shape_cast %swap3A_528 : vector<1x1x16xf32> to vector<16xf32>
      %swap3A_530 = vector.shape_cast %select_n3A_522 : vector<16xf32> to vector<1x1x16xf32>
      tpu.vector_store %arg5[%swap3A_525, %swap3A_526, %swap3A_527], %swap3A_530 {strides = array<i32>} : memref<16x2x512xf32, #tpu.memory_space<vmem>>, vector<1x1x16xf32>,
      %eq3A_531 = arith.constant 7 : i32
      %eq3A_532 = vector.broadcast %eq3A_531 : i32 to vector<16xi32>
      %eq3A_533 = arith.cmpi eq, %select_n3A_162, %eq3A_532 : vector<16xi32>
      %jit3A_534 = arith.constant 1.000000e+00 : f32
      %jit3A_535 = arith.constant 0.000000e+00 : f32
      %broadcast_in_dim3A_536 = vector.broadcast %jit3A_534 : f32 to vector<16xf32>
      %broadcast_in_dim3A_537 = vector.broadcast %jit3A_535 : f32 to vector<16xf32>
      %select_n3A_538 = arith.select %eq3A_533, %broadcast_in_dim3A_536, %broadcast_in_dim3A_537 : vector<16xi1>, vector<16xf32>
      %swap3A_539 = arith.constant 7 : i32
      %swap3A_540 = arith.constant 0 : i32
      %swap3A_541 = arith.index_cast %swap3A_539 : i32 to index
      %swap3A_542 = arith.index_cast %swap3A_540 : i32 to index
      %swap3A_543 = arith.index_cast %mul3A_10 : i32 to index
      %swap3A_544 = tpu.vector_load %arg5[%swap3A_541, %swap3A_542, %swap3A_543] {strides = array<i32>} : memref<16x2x512xf32, #tpu.memory_space<vmem>>, vector<1x1x16xf32>,
      %swap3A_545 = vector.shape_cast %swap3A_544 : vector<1x1x16xf32> to vector<16xf32>
      %swap3A_546 = vector.shape_cast %select_n3A_538 : vector<16xf32> to vector<1x1x16xf32>
      tpu.vector_store %arg5[%swap3A_541, %swap3A_542, %swap3A_543], %swap3A_546 {strides = array<i32>} : memref<16x2x512xf32, #tpu.memory_space<vmem>>, vector<1x1x16xf32>,
      %eq3A_547 = arith.constant 7 : i32
      %eq3A_548 = vector.broadcast %eq3A_547 : i32 to vector<16xi32>
      %eq3A_549 = arith.cmpi eq, %select_n3A_308, %eq3A_548 : vector<16xi32>
      %jit3A_550 = arith.constant 1.000000e+00 : f32
      %jit3A_551 = arith.constant 0.000000e+00 : f32
      %broadcast_in_dim3A_552 = vector.broadcast %jit3A_550 : f32 to vector<16xf32>
      %broadcast_in_dim3A_553 = vector.broadcast %jit3A_551 : f32 to vector<16xf32>
      %select_n3A_554 = arith.select %eq3A_549, %broadcast_in_dim3A_552, %broadcast_in_dim3A_553 : vector<16xi1>, vector<16xf32>
      %swap3A_555 = arith.constant 7 : i32
      %swap3A_556 = arith.constant 1 : i32
      %swap3A_557 = arith.index_cast %swap3A_555 : i32 to index
      %swap3A_558 = arith.index_cast %swap3A_556 : i32 to index
      %swap3A_559 = arith.index_cast %mul3A_10 : i32 to index
      %swap3A_560 = tpu.vector_load %arg5[%swap3A_557, %swap3A_558, %swap3A_559] {strides = array<i32>} : memref<16x2x512xf32, #tpu.memory_space<vmem>>, vector<1x1x16xf32>,
      %swap3A_561 = vector.shape_cast %swap3A_560 : vector<1x1x16xf32> to vector<16xf32>
      %swap3A_562 = vector.shape_cast %select_n3A_554 : vector<16xf32> to vector<1x1x16xf32>
      tpu.vector_store %arg5[%swap3A_557, %swap3A_558, %swap3A_559], %swap3A_562 {strides = array<i32>} : memref<16x2x512xf32, #tpu.memory_space<vmem>>, vector<1x1x16xf32>,
      %eq3A_563 = arith.constant 8 : i32
      %eq3A_564 = vector.broadcast %eq3A_563 : i32 to vector<16xi32>
      %eq3A_565 = arith.cmpi eq, %select_n3A_162, %eq3A_564 : vector<16xi32>
      %jit3A_566 = arith.constant 1.000000e+00 : f32
      %jit3A_567 = arith.constant 0.000000e+00 : f32
      %broadcast_in_dim3A_568 = vector.broadcast %jit3A_566 : f32 to vector<16xf32>
      %broadcast_in_dim3A_569 = vector.broadcast %jit3A_567 : f32 to vector<16xf32>
      %select_n3A_570 = arith.select %eq3A_565, %broadcast_in_dim3A_568, %broadcast_in_dim3A_569 : vector<16xi1>, vector<16xf32>
      %swap3A_571 = arith.constant 8 : i32
      %swap3A_572 = arith.constant 0 : i32
      %swap3A_573 = arith.index_cast %swap3A_571 : i32 to index
      %swap3A_574 = arith.index_cast %swap3A_572 : i32 to index
      %swap3A_575 = arith.index_cast %mul3A_10 : i32 to index
      %swap3A_576 = tpu.vector_load %arg5[%swap3A_573, %swap3A_574, %swap3A_575] {strides = array<i32>} : memref<16x2x512xf32, #tpu.memory_space<vmem>>, vector<1x1x16xf32>,
      %swap3A_577 = vector.shape_cast %swap3A_576 : vector<1x1x16xf32> to vector<16xf32>
      %swap3A_578 = vector.shape_cast %select_n3A_570 : vector<16xf32> to vector<1x1x16xf32>
      tpu.vector_store %arg5[%swap3A_573, %swap3A_574, %swap3A_575], %swap3A_578 {strides = array<i32>} : memref<16x2x512xf32, #tpu.memory_space<vmem>>, vector<1x1x16xf32>,
      %eq3A_579 = arith.constant 8 : i32
      %eq3A_580 = vector.broadcast %eq3A_579 : i32 to vector<16xi32>
      %eq3A_581 = arith.cmpi eq, %select_n3A_308, %eq3A_580 : vector<16xi32>
      %jit3A_582 = arith.constant 1.000000e+00 : f32
      %jit3A_583 = arith.constant 0.000000e+00 : f32
      %broadcast_in_dim3A_584 = vector.broadcast %jit3A_582 : f32 to vector<16xf32>
      %broadcast_in_dim3A_585 = vector.broadcast %jit3A_583 : f32 to vector<16xf32>
      %select_n3A_586 = arith.select %eq3A_581, %broadcast_in_dim3A_584, %broadcast_in_dim3A_585 : vector<16xi1>, vector<16xf32>
      %swap3A_587 = arith.constant 8 : i32
      %swap3A_588 = arith.constant 1 : i32
      %swap3A_589 = arith.index_cast %swap3A_587 : i32 to index
      %swap3A_590 = arith.index_cast %swap3A_588 : i32 to index
      %swap3A_591 = arith.index_cast %mul3A_10 : i32 to index
      %swap3A_592 = tpu.vector_load %arg5[%swap3A_589, %swap3A_590, %swap3A_591] {strides = array<i32>} : memref<16x2x512xf32, #tpu.memory_space<vmem>>, vector<1x1x16xf32>,
      %swap3A_593 = vector.shape_cast %swap3A_592 : vector<1x1x16xf32> to vector<16xf32>
      %swap3A_594 = vector.shape_cast %select_n3A_586 : vector<16xf32> to vector<1x1x16xf32>
      tpu.vector_store %arg5[%swap3A_589, %swap3A_590, %swap3A_591], %swap3A_594 {strides = array<i32>} : memref<16x2x512xf32, #tpu.memory_space<vmem>>, vector<1x1x16xf32>,
      %eq3A_595 = arith.constant 9 : i32
      %eq3A_596 = vector.broadcast %eq3A_595 : i32 to vector<16xi32>
      %eq3A_597 = arith.cmpi eq, %select_n3A_162, %eq3A_596 : vector<16xi32>
      %jit3A_598 = arith.constant 1.000000e+00 : f32
      %jit3A_599 = arith.constant 0.000000e+00 : f32
      %broadcast_in_dim3A_600 = vector.broadcast %jit3A_598 : f32 to vector<16xf32>
      %broadcast_in_dim3A_601 = vector.broadcast %jit3A_599 : f32 to vector<16xf32>
      %select_n3A_602 = arith.select %eq3A_597, %broadcast_in_dim3A_600, %broadcast_in_dim3A_601 : vector<16xi1>, vector<16xf32>
      %swap3A_603 = arith.constant 9 : i32
      %swap3A_604 = arith.constant 0 : i32
      %swap3A_605 = arith.index_cast %swap3A_603 : i32 to index
      %swap3A_606 = arith.index_cast %swap3A_604 : i32 to index
      %swap3A_607 = arith.index_cast %mul3A_10 : i32 to index
      %swap3A_608 = tpu.vector_load %arg5[%swap3A_605, %swap3A_606, %swap3A_607] {strides = array<i32>} : memref<16x2x512xf32, #tpu.memory_space<vmem>>, vector<1x1x16xf32>,
      %swap3A_609 = vector.shape_cast %swap3A_608 : vector<1x1x16xf32> to vector<16xf32>
      %swap3A_610 = vector.shape_cast %select_n3A_602 : vector<16xf32> to vector<1x1x16xf32>
      tpu.vector_store %arg5[%swap3A_605, %swap3A_606, %swap3A_607], %swap3A_610 {strides = array<i32>} : memref<16x2x512xf32, #tpu.memory_space<vmem>>, vector<1x1x16xf32>,
      %eq3A_611 = arith.constant 9 : i32
      %eq3A_612 = vector.broadcast %eq3A_611 : i32 to vector<16xi32>
      %eq3A_613 = arith.cmpi eq, %select_n3A_308, %eq3A_612 : vector<16xi32>
      %jit3A_614 = arith.constant 1.000000e+00 : f32
      %jit3A_615 = arith.constant 0.000000e+00 : f32
      %broadcast_in_dim3A_616 = vector.broadcast %jit3A_614 : f32 to vector<16xf32>
      %broadcast_in_dim3A_617 = vector.broadcast %jit3A_615 : f32 to vector<16xf32>
      %select_n3A_618 = arith.select %eq3A_613, %broadcast_in_dim3A_616, %broadcast_in_dim3A_617 : vector<16xi1>, vector<16xf32>
      %swap3A_619 = arith.constant 9 : i32
      %swap3A_620 = arith.constant 1 : i32
      %swap3A_621 = arith.index_cast %swap3A_619 : i32 to index
      %swap3A_622 = arith.index_cast %swap3A_620 : i32 to index
      %swap3A_623 = arith.index_cast %mul3A_10 : i32 to index
      %swap3A_624 = tpu.vector_load %arg5[%swap3A_621, %swap3A_622, %swap3A_623] {strides = array<i32>} : memref<16x2x512xf32, #tpu.memory_space<vmem>>, vector<1x1x16xf32>,
      %swap3A_625 = vector.shape_cast %swap3A_624 : vector<1x1x16xf32> to vector<16xf32>
      %swap3A_626 = vector.shape_cast %select_n3A_618 : vector<16xf32> to vector<1x1x16xf32>
      tpu.vector_store %arg5[%swap3A_621, %swap3A_622, %swap3A_623], %swap3A_626 {strides = array<i32>} : memref<16x2x512xf32, #tpu.memory_space<vmem>>, vector<1x1x16xf32>,
      %eq3A_627 = arith.constant 10 : i32
      %eq3A_628 = vector.broadcast %eq3A_627 : i32 to vector<16xi32>
      %eq3A_629 = arith.cmpi eq, %select_n3A_162, %eq3A_628 : vector<16xi32>
      %jit3A_630 = arith.constant 1.000000e+00 : f32
      %jit3A_631 = arith.constant 0.000000e+00 : f32
      %broadcast_in_dim3A_632 = vector.broadcast %jit3A_630 : f32 to vector<16xf32>
      %broadcast_in_dim3A_633 = vector.broadcast %jit3A_631 : f32 to vector<16xf32>
      %select_n3A_634 = arith.select %eq3A_629, %broadcast_in_dim3A_632, %broadcast_in_dim3A_633 : vector<16xi1>, vector<16xf32>
      %swap3A_635 = arith.constant 10 : i32
      %swap3A_636 = arith.constant 0 : i32
      %swap3A_637 = arith.index_cast %swap3A_635 : i32 to index
      %swap3A_638 = arith.index_cast %swap3A_636 : i32 to index
      %swap3A_639 = arith.index_cast %mul3A_10 : i32 to index
      %swap3A_640 = tpu.vector_load %arg5[%swap3A_637, %swap3A_638, %swap3A_639] {strides = array<i32>} : memref<16x2x512xf32, #tpu.memory_space<vmem>>, vector<1x1x16xf32>,
      %swap3A_641 = vector.shape_cast %swap3A_640 : vector<1x1x16xf32> to vector<16xf32>
      %swap3A_642 = vector.shape_cast %select_n3A_634 : vector<16xf32> to vector<1x1x16xf32>
      tpu.vector_store %arg5[%swap3A_637, %swap3A_638, %swap3A_639], %swap3A_642 {strides = array<i32>} : memref<16x2x512xf32, #tpu.memory_space<vmem>>, vector<1x1x16xf32>,
      %eq3A_643 = arith.constant 10 : i32
      %eq3A_644 = vector.broadcast %eq3A_643 : i32 to vector<16xi32>
      %eq3A_645 = arith.cmpi eq, %select_n3A_308, %eq3A_644 : vector<16xi32>
      %jit3A_646 = arith.constant 1.000000e+00 : f32
      %jit3A_647 = arith.constant 0.000000e+00 : f32
      %broadcast_in_dim3A_648 = vector.broadcast %jit3A_646 : f32 to vector<16xf32>
      %broadcast_in_dim3A_649 = vector.broadcast %jit3A_647 : f32 to vector<16xf32>
      %select_n3A_650 = arith.select %eq3A_645, %broadcast_in_dim3A_648, %broadcast_in_dim3A_649 : vector<16xi1>, vector<16xf32>
      %swap3A_651 = arith.constant 10 : i32
      %swap3A_652 = arith.constant 1 : i32
      %swap3A_653 = arith.index_cast %swap3A_651 : i32 to index
      %swap3A_654 = arith.index_cast %swap3A_652 : i32 to index
      %swap3A_655 = arith.index_cast %mul3A_10 : i32 to index
      %swap3A_656 = tpu.vector_load %arg5[%swap3A_653, %swap3A_654, %swap3A_655] {strides = array<i32>} : memref<16x2x512xf32, #tpu.memory_space<vmem>>, vector<1x1x16xf32>,
      %swap3A_657 = vector.shape_cast %swap3A_656 : vector<1x1x16xf32> to vector<16xf32>
      %swap3A_658 = vector.shape_cast %select_n3A_650 : vector<16xf32> to vector<1x1x16xf32>
      tpu.vector_store %arg5[%swap3A_653, %swap3A_654, %swap3A_655], %swap3A_658 {strides = array<i32>} : memref<16x2x512xf32, #tpu.memory_space<vmem>>, vector<1x1x16xf32>,
      %eq3A_659 = arith.constant 11 : i32
      %eq3A_660 = vector.broadcast %eq3A_659 : i32 to vector<16xi32>
      %eq3A_661 = arith.cmpi eq, %select_n3A_162, %eq3A_660 : vector<16xi32>
      %jit3A_662 = arith.constant 1.000000e+00 : f32
      %jit3A_663 = arith.constant 0.000000e+00 : f32
      %broadcast_in_dim3A_664 = vector.broadcast %jit3A_662 : f32 to vector<16xf32>
      %broadcast_in_dim3A_665 = vector.broadcast %jit3A_663 : f32 to vector<16xf32>
      %select_n3A_666 = arith.select %eq3A_661, %broadcast_in_dim3A_664, %broadcast_in_dim3A_665 : vector<16xi1>, vector<16xf32>
      %swap3A_667 = arith.constant 11 : i32
      %swap3A_668 = arith.constant 0 : i32
      %swap3A_669 = arith.index_cast %swap3A_667 : i32 to index
      %swap3A_670 = arith.index_cast %swap3A_668 : i32 to index
      %swap3A_671 = arith.index_cast %mul3A_10 : i32 to index
      %swap3A_672 = tpu.vector_load %arg5[%swap3A_669, %swap3A_670, %swap3A_671] {strides = array<i32>} : memref<16x2x512xf32, #tpu.memory_space<vmem>>, vector<1x1x16xf32>,
      %swap3A_673 = vector.shape_cast %swap3A_672 : vector<1x1x16xf32> to vector<16xf32>
      %swap3A_674 = vector.shape_cast %select_n3A_666 : vector<16xf32> to vector<1x1x16xf32>
      tpu.vector_store %arg5[%swap3A_669, %swap3A_670, %swap3A_671], %swap3A_674 {strides = array<i32>} : memref<16x2x512xf32, #tpu.memory_space<vmem>>, vector<1x1x16xf32>,
      %eq3A_675 = arith.constant 11 : i32
      %eq3A_676 = vector.broadcast %eq3A_675 : i32 to vector<16xi32>
      %eq3A_677 = arith.cmpi eq, %select_n3A_308, %eq3A_676 : vector<16xi32>
      %jit3A_678 = arith.constant 1.000000e+00 : f32
      %jit3A_679 = arith.constant 0.000000e+00 : f32
      %broadcast_in_dim3A_680 = vector.broadcast %jit3A_678 : f32 to vector<16xf32>
      %broadcast_in_dim3A_681 = vector.broadcast %jit3A_679 : f32 to vector<16xf32>
      %select_n3A_682 = arith.select %eq3A_677, %broadcast_in_dim3A_680, %broadcast_in_dim3A_681 : vector<16xi1>, vector<16xf32>
      %swap3A_683 = arith.constant 11 : i32
      %swap3A_684 = arith.constant 1 : i32
      %swap3A_685 = arith.index_cast %swap3A_683 : i32 to index
      %swap3A_686 = arith.index_cast %swap3A_684 : i32 to index
      %swap3A_687 = arith.index_cast %mul3A_10 : i32 to index
      %swap3A_688 = tpu.vector_load %arg5[%swap3A_685, %swap3A_686, %swap3A_687] {strides = array<i32>} : memref<16x2x512xf32, #tpu.memory_space<vmem>>, vector<1x1x16xf32>,
      %swap3A_689 = vector.shape_cast %swap3A_688 : vector<1x1x16xf32> to vector<16xf32>
      %swap3A_690 = vector.shape_cast %select_n3A_682 : vector<16xf32> to vector<1x1x16xf32>
      tpu.vector_store %arg5[%swap3A_685, %swap3A_686, %swap3A_687], %swap3A_690 {strides = array<i32>} : memref<16x2x512xf32, #tpu.memory_space<vmem>>, vector<1x1x16xf32>,
      %eq3A_691 = arith.constant 12 : i32
      %eq3A_692 = vector.broadcast %eq3A_691 : i32 to vector<16xi32>
      %eq3A_693 = arith.cmpi eq, %select_n3A_162, %eq3A_692 : vector<16xi32>
      %jit3A_694 = arith.constant 1.000000e+00 : f32
      %jit3A_695 = arith.constant 0.000000e+00 : f32
      %broadcast_in_dim3A_696 = vector.broadcast %jit3A_694 : f32 to vector<16xf32>
      %broadcast_in_dim3A_697 = vector.broadcast %jit3A_695 : f32 to vector<16xf32>
      %select_n3A_698 = arith.select %eq3A_693, %broadcast_in_dim3A_696, %broadcast_in_dim3A_697 : vector<16xi1>, vector<16xf32>
      %swap3A_699 = arith.constant 12 : i32
      %swap3A_700 = arith.constant 0 : i32
      %swap3A_701 = arith.index_cast %swap3A_699 : i32 to index
      %swap3A_702 = arith.index_cast %swap3A_700 : i32 to index
      %swap3A_703 = arith.index_cast %mul3A_10 : i32 to index
      %swap3A_704 = tpu.vector_load %arg5[%swap3A_701, %swap3A_702, %swap3A_703] {strides = array<i32>} : memref<16x2x512xf32, #tpu.memory_space<vmem>>, vector<1x1x16xf32>,
      %swap3A_705 = vector.shape_cast %swap3A_704 : vector<1x1x16xf32> to vector<16xf32>
      %swap3A_706 = vector.shape_cast %select_n3A_698 : vector<16xf32> to vector<1x1x16xf32>
      tpu.vector_store %arg5[%swap3A_701, %swap3A_702, %swap3A_703], %swap3A_706 {strides = array<i32>} : memref<16x2x512xf32, #tpu.memory_space<vmem>>, vector<1x1x16xf32>,
      %eq3A_707 = arith.constant 12 : i32
      %eq3A_708 = vector.broadcast %eq3A_707 : i32 to vector<16xi32>
      %eq3A_709 = arith.cmpi eq, %select_n3A_308, %eq3A_708 : vector<16xi32>
      %jit3A_710 = arith.constant 1.000000e+00 : f32
      %jit3A_711 = arith.constant 0.000000e+00 : f32
      %broadcast_in_dim3A_712 = vector.broadcast %jit3A_710 : f32 to vector<16xf32>
      %broadcast_in_dim3A_713 = vector.broadcast %jit3A_711 : f32 to vector<16xf32>
      %select_n3A_714 = arith.select %eq3A_709, %broadcast_in_dim3A_712, %broadcast_in_dim3A_713 : vector<16xi1>, vector<16xf32>
      %swap3A_715 = arith.constant 12 : i32
      %swap3A_716 = arith.constant 1 : i32
      %swap3A_717 = arith.index_cast %swap3A_715 : i32 to index
      %swap3A_718 = arith.index_cast %swap3A_716 : i32 to index
      %swap3A_719 = arith.index_cast %mul3A_10 : i32 to index
      %swap3A_720 = tpu.vector_load %arg5[%swap3A_717, %swap3A_718, %swap3A_719] {strides = array<i32>} : memref<16x2x512xf32, #tpu.memory_space<vmem>>, vector<1x1x16xf32>,
      %swap3A_721 = vector.shape_cast %swap3A_720 : vector<1x1x16xf32> to vector<16xf32>
      %swap3A_722 = vector.shape_cast %select_n3A_714 : vector<16xf32> to vector<1x1x16xf32>
      tpu.vector_store %arg5[%swap3A_717, %swap3A_718, %swap3A_719], %swap3A_722 {strides = array<i32>} : memref<16x2x512xf32, #tpu.memory_space<vmem>>, vector<1x1x16xf32>,
      %eq3A_723 = arith.constant 13 : i32
      %eq3A_724 = vector.broadcast %eq3A_723 : i32 to vector<16xi32>
      %eq3A_725 = arith.cmpi eq, %select_n3A_162, %eq3A_724 : vector<16xi32>
      %jit3A_726 = arith.constant 1.000000e+00 : f32
      %jit3A_727 = arith.constant 0.000000e+00 : f32
      %broadcast_in_dim3A_728 = vector.broadcast %jit3A_726 : f32 to vector<16xf32>
      %broadcast_in_dim3A_729 = vector.broadcast %jit3A_727 : f32 to vector<16xf32>
      %select_n3A_730 = arith.select %eq3A_725, %broadcast_in_dim3A_728, %broadcast_in_dim3A_729 : vector<16xi1>, vector<16xf32>
      %swap3A_731 = arith.constant 13 : i32
      %swap3A_732 = arith.constant 0 : i32
      %swap3A_733 = arith.index_cast %swap3A_731 : i32 to index
      %swap3A_734 = arith.index_cast %swap3A_732 : i32 to index
      %swap3A_735 = arith.index_cast %mul3A_10 : i32 to index
      %swap3A_736 = tpu.vector_load %arg5[%swap3A_733, %swap3A_734, %swap3A_735] {strides = array<i32>} : memref<16x2x512xf32, #tpu.memory_space<vmem>>, vector<1x1x16xf32>,
      %swap3A_737 = vector.shape_cast %swap3A_736 : vector<1x1x16xf32> to vector<16xf32>
      %swap3A_738 = vector.shape_cast %select_n3A_730 : vector<16xf32> to vector<1x1x16xf32>
      tpu.vector_store %arg5[%swap3A_733, %swap3A_734, %swap3A_735], %swap3A_738 {strides = array<i32>} : memref<16x2x512xf32, #tpu.memory_space<vmem>>, vector<1x1x16xf32>,
      %eq3A_739 = arith.constant 13 : i32
      %eq3A_740 = vector.broadcast %eq3A_739 : i32 to vector<16xi32>
      %eq3A_741 = arith.cmpi eq, %select_n3A_308, %eq3A_740 : vector<16xi32>
      %jit3A_742 = arith.constant 1.000000e+00 : f32
      %jit3A_743 = arith.constant 0.000000e+00 : f32
      %broadcast_in_dim3A_744 = vector.broadcast %jit3A_742 : f32 to vector<16xf32>
      %broadcast_in_dim3A_745 = vector.broadcast %jit3A_743 : f32 to vector<16xf32>
      %select_n3A_746 = arith.select %eq3A_741, %broadcast_in_dim3A_744, %broadcast_in_dim3A_745 : vector<16xi1>, vector<16xf32>
      %swap3A_747 = arith.constant 13 : i32
      %swap3A_748 = arith.constant 1 : i32
      %swap3A_749 = arith.index_cast %swap3A_747 : i32 to index
      %swap3A_750 = arith.index_cast %swap3A_748 : i32 to index
      %swap3A_751 = arith.index_cast %mul3A_10 : i32 to index
      %swap3A_752 = tpu.vector_load %arg5[%swap3A_749, %swap3A_750, %swap3A_751] {strides = array<i32>} : memref<16x2x512xf32, #tpu.memory_space<vmem>>, vector<1x1x16xf32>,
      %swap3A_753 = vector.shape_cast %swap3A_752 : vector<1x1x16xf32> to vector<16xf32>
      %swap3A_754 = vector.shape_cast %select_n3A_746 : vector<16xf32> to vector<1x1x16xf32>
      tpu.vector_store %arg5[%swap3A_749, %swap3A_750, %swap3A_751], %swap3A_754 {strides = array<i32>} : memref<16x2x512xf32, #tpu.memory_space<vmem>>, vector<1x1x16xf32>,
      %eq3A_755 = arith.constant 14 : i32
      %eq3A_756 = vector.broadcast %eq3A_755 : i32 to vector<16xi32>
      %eq3A_757 = arith.cmpi eq, %select_n3A_162, %eq3A_756 : vector<16xi32>
      %jit3A_758 = arith.constant 1.000000e+00 : f32
      %jit3A_759 = arith.constant 0.000000e+00 : f32
      %broadcast_in_dim3A_760 = vector.broadcast %jit3A_758 : f32 to vector<16xf32>
      %broadcast_in_dim3A_761 = vector.broadcast %jit3A_759 : f32 to vector<16xf32>
      %select_n3A_762 = arith.select %eq3A_757, %broadcast_in_dim3A_760, %broadcast_in_dim3A_761 : vector<16xi1>, vector<16xf32>
      %swap3A_763 = arith.constant 14 : i32
      %swap3A_764 = arith.constant 0 : i32
      %swap3A_765 = arith.index_cast %swap3A_763 : i32 to index
      %swap3A_766 = arith.index_cast %swap3A_764 : i32 to index
      %swap3A_767 = arith.index_cast %mul3A_10 : i32 to index
      %swap3A_768 = tpu.vector_load %arg5[%swap3A_765, %swap3A_766, %swap3A_767] {strides = array<i32>} : memref<16x2x512xf32, #tpu.memory_space<vmem>>, vector<1x1x16xf32>,
      %swap3A_769 = vector.shape_cast %swap3A_768 : vector<1x1x16xf32> to vector<16xf32>
      %swap3A_770 = vector.shape_cast %select_n3A_762 : vector<16xf32> to vector<1x1x16xf32>
      tpu.vector_store %arg5[%swap3A_765, %swap3A_766, %swap3A_767], %swap3A_770 {strides = array<i32>} : memref<16x2x512xf32, #tpu.memory_space<vmem>>, vector<1x1x16xf32>,
      %eq3A_771 = arith.constant 14 : i32
      %eq3A_772 = vector.broadcast %eq3A_771 : i32 to vector<16xi32>
      %eq3A_773 = arith.cmpi eq, %select_n3A_308, %eq3A_772 : vector<16xi32>
      %jit3A_774 = arith.constant 1.000000e+00 : f32
      %jit3A_775 = arith.constant 0.000000e+00 : f32
      %broadcast_in_dim3A_776 = vector.broadcast %jit3A_774 : f32 to vector<16xf32>
      %broadcast_in_dim3A_777 = vector.broadcast %jit3A_775 : f32 to vector<16xf32>
      %select_n3A_778 = arith.select %eq3A_773, %broadcast_in_dim3A_776, %broadcast_in_dim3A_777 : vector<16xi1>, vector<16xf32>
      %swap3A_779 = arith.constant 14 : i32
      %swap3A_780 = arith.constant 1 : i32
      %swap3A_781 = arith.index_cast %swap3A_779 : i32 to index
      %swap3A_782 = arith.index_cast %swap3A_780 : i32 to index
      %swap3A_783 = arith.index_cast %mul3A_10 : i32 to index
      %swap3A_784 = tpu.vector_load %arg5[%swap3A_781, %swap3A_782, %swap3A_783] {strides = array<i32>} : memref<16x2x512xf32, #tpu.memory_space<vmem>>, vector<1x1x16xf32>,
      %swap3A_785 = vector.shape_cast %swap3A_784 : vector<1x1x16xf32> to vector<16xf32>
      %swap3A_786 = vector.shape_cast %select_n3A_778 : vector<16xf32> to vector<1x1x16xf32>
      tpu.vector_store %arg5[%swap3A_781, %swap3A_782, %swap3A_783], %swap3A_786 {strides = array<i32>} : memref<16x2x512xf32, #tpu.memory_space<vmem>>, vector<1x1x16xf32>,
      %eq3A_787 = arith.constant 15 : i32
      %eq3A_788 = vector.broadcast %eq3A_787 : i32 to vector<16xi32>
      %eq3A_789 = arith.cmpi eq, %select_n3A_162, %eq3A_788 : vector<16xi32>
      %jit3A_790 = arith.constant 1.000000e+00 : f32
      %jit3A_791 = arith.constant 0.000000e+00 : f32
      %broadcast_in_dim3A_792 = vector.broadcast %jit3A_790 : f32 to vector<16xf32>
      %broadcast_in_dim3A_793 = vector.broadcast %jit3A_791 : f32 to vector<16xf32>
      %select_n3A_794 = arith.select %eq3A_789, %broadcast_in_dim3A_792, %broadcast_in_dim3A_793 : vector<16xi1>, vector<16xf32>
      %swap3A_795 = arith.constant 15 : i32
      %swap3A_796 = arith.constant 0 : i32
      %swap3A_797 = arith.index_cast %swap3A_795 : i32 to index
      %swap3A_798 = arith.index_cast %swap3A_796 : i32 to index
      %swap3A_799 = arith.index_cast %mul3A_10 : i32 to index
      %swap3A_800 = tpu.vector_load %arg5[%swap3A_797, %swap3A_798, %swap3A_799] {strides = array<i32>} : memref<16x2x512xf32, #tpu.memory_space<vmem>>, vector<1x1x16xf32>,
      %swap3A_801 = vector.shape_cast %swap3A_800 : vector<1x1x16xf32> to vector<16xf32>
      %swap3A_802 = vector.shape_cast %select_n3A_794 : vector<16xf32> to vector<1x1x16xf32>
      tpu.vector_store %arg5[%swap3A_797, %swap3A_798, %swap3A_799], %swap3A_802 {strides = array<i32>} : memref<16x2x512xf32, #tpu.memory_space<vmem>>, vector<1x1x16xf32>,
      %eq3A_803 = arith.constant 15 : i32
      %eq3A_804 = vector.broadcast %eq3A_803 : i32 to vector<16xi32>
      %eq3A_805 = arith.cmpi eq, %select_n3A_308, %eq3A_804 : vector<16xi32>
      %jit3A_806 = arith.constant 1.000000e+00 : f32
      %jit3A_807 = arith.constant 0.000000e+00 : f32
      %broadcast_in_dim3A_808 = vector.broadcast %jit3A_806 : f32 to vector<16xf32>
      %broadcast_in_dim3A_809 = vector.broadcast %jit3A_807 : f32 to vector<16xf32>
      %select_n3A_810 = arith.select %eq3A_805, %broadcast_in_dim3A_808, %broadcast_in_dim3A_809 : vector<16xi1>, vector<16xf32>
      %swap3A_811 = arith.constant 15 : i32
      %swap3A_812 = arith.constant 1 : i32
      %swap3A_813 = arith.index_cast %swap3A_811 : i32 to index
      %swap3A_814 = arith.index_cast %swap3A_812 : i32 to index
      %swap3A_815 = arith.index_cast %mul3A_10 : i32 to index
      %swap3A_816 = tpu.vector_load %arg5[%swap3A_813, %swap3A_814, %swap3A_815] {strides = array<i32>} : memref<16x2x512xf32, #tpu.memory_space<vmem>>, vector<1x1x16xf32>,
      %swap3A_817 = vector.shape_cast %swap3A_816 : vector<1x1x16xf32> to vector<16xf32>
      %swap3A_818 = vector.shape_cast %select_n3A_810 : vector<16xf32> to vector<1x1x16xf32>
      tpu.vector_store %arg5[%swap3A_813, %swap3A_814, %swap3A_815], %swap3A_818 {strides = array<i32>} : memref<16x2x512xf32, #tpu.memory_space<vmem>>, vector<1x1x16xf32>,
    }
    %scan3A_5 = arith.constant 32 : i32
    %mul3A_6 = arith.constant 512 : i32
    %mul3A_7 = arith.muli %add3A, %mul3A_6 : i32
    "tpu.region"() ({
      %run_scoped3A = tpu.sem_alloc : memref<!tpu.dma_semaphore, #tpu.memory_space<semaphore_mem>>
      %dma_start3A = arith.constant 0 : i32
      %dma_start3A_8 = arith.constant 0 : i32
      %dma_start3A_9 = tpu.memref_slice %arg3[%dma_start3A, %dma_start3A_8, %mul3A_7] : memref<16x2x16384xf32, #tpu.memory_space<hbm>> -> memref<16x2x512xf32, #tpu.memory_space<hbm>>
      %dma_start3A_10 = arith.constant 0 : i32
      %dma_start3A_11 = arith.constant 0 : i32
      %dma_start3A_12 = tpu.memref_slice %arg3[%dma_start3A_10, %dma_start3A_11, %mul3A_7] : memref<16x2x16384xf32, #tpu.memory_space<hbm>> -> memref<16x2x512xf32, #tpu.memory_space<hbm>>
      tpu.enqueue_dma source(%arg5 : memref<16x2x512xf32, #tpu.memory_space<vmem>>) target(%dma_start3A_12 : memref<16x2x512xf32, #tpu.memory_space<hbm>>) target_semaphore(%run_scoped3A : memref<!tpu.dma_semaphore, #tpu.memory_space<semaphore_mem>>)
      %dma_wait3A = arith.constant 0 : i32
      %dma_wait3A_13 = arith.constant 0 : i32
      %dma_wait3A_14 = tpu.memref_slice %arg3[%dma_wait3A, %dma_wait3A_13, %mul3A_7] : memref<16x2x16384xf32, #tpu.memory_space<hbm>> -> memref<16x2x512xf32, #tpu.memory_space<hbm>>
      %dma_wait3A_15 = arith.constant 0 : i32
      %dma_wait3A_16 = arith.constant 0 : i32
      %dma_wait3A_17 = tpu.memref_slice %arg3[%dma_wait3A_15, %dma_wait3A_16, %mul3A_7] : memref<16x2x16384xf32, #tpu.memory_space<hbm>> -> memref<16x2x512xf32, #tpu.memory_space<hbm>>
      tpu.wait_dma2 semaphore(%run_scoped3A : memref<!tpu.dma_semaphore, #tpu.memory_space<semaphore_mem>>) src(%arg5 : memref<16x2x512xf32, #tpu.memory_space<vmem>>) dst(%dma_wait3A_17 : memref<16x2x512xf32, #tpu.memory_space<hbm>>)
      tpu.yield
    }) : () -> ()
    return
  }
}

module attributes {stable_mosaic.version = 14 : i64} {
  func.func @_logits_kernel(%arg0: i32, %arg1: memref<1024x2048xf32, #tpu.memory_space<vmem>>, %arg2: memref<16x2048xf32, #tpu.memory_space<vmem>>, %arg3: memref<2x16x512xf32, #tpu.memory_space<vmem>>) attributes {dimension_semantics = [#tpu.dimension_semantics<arbitrary>], iteration_bounds = array<i64: 16>, scalar_prefetch = 0 : i64, scratch_operands = 0 : i64, tpu.core_type = #tpu.core_type<tc>, window_params = [{transform_indices = @transform_0, window_bounds = array<i64: 1024, 2048>}, {pipeline_mode = #tpu.pipeline_mode<synchronous>, transform_indices = @transform_1, window_bounds = array<i64: 16, 2048>}, {transform_indices = @transform_2, window_bounds = array<i64: 2, 16, 512>}]} {
    %get3A = arith.constant 0 : index
    %get3A_0 = arith.constant 0 : index
    %get3A_1 = vector.load %arg2[%get3A, %get3A_0] : memref<16x2048xf32, #tpu.memory_space<vmem>>, vector<16x2048xf32>
    %get3A_2 = arith.constant 0 : index
    %get3A_3 = arith.constant 0 : index
    %get3A_4 = vector.load %arg1[%get3A_2, %get3A_3] : memref<1024x2048xf32, #tpu.memory_space<vmem>>, vector<1024x2048xf32>
    %dot_general3A = arith.constant dense<0.000000e+00> : vector<16x1024xf32>
    %dot_general3A_5 = tpu.matmul %get3A_1, %get3A_4, %dot_general3A {dimension_numbers = #tpu.dot_dimension_numbers<[1], [1], [0], [0], [0, 0, 1, 0], [], []>, transpose_lhs_hint = false} : vector<16x2048xf32>, vector<1024x2048xf32>, vector<16x1024xf32> -> vector<16x1024xf32>
    %slice3A = vector.extract_strided_slice %dot_general3A_5 {offsets = [0, 0], sizes = [16, 512], strides = [1, 1]} : vector<16x1024xf32> to vector<16x512xf32>
    %swap3A = arith.constant 0 : index
    %swap3A_6 = arith.constant 0 : index
    %swap3A_7 = arith.constant 0 : index
    %swap3A_8 = vector.load %arg3[%swap3A, %swap3A_6, %swap3A_7] : memref<2x16x512xf32, #tpu.memory_space<vmem>>, vector<1x16x512xf32>
    %swap3A_9 = vector.shape_cast %swap3A_8 : vector<1x16x512xf32> to vector<16x512xf32>
    %swap3A_10 = vector.shape_cast %slice3A : vector<16x512xf32> to vector<1x16x512xf32>
    tpu.vector_store %arg3[%swap3A, %swap3A_6, %swap3A_7], %swap3A_10 {strides = array<i32>} : memref<2x16x512xf32, #tpu.memory_space<vmem>>, vector<1x16x512xf32>,
    %slice3A_11 = vector.extract_strided_slice %dot_general3A_5 {offsets = [0, 512], sizes = [16, 512], strides = [1, 1]} : vector<16x1024xf32> to vector<16x512xf32>
    %swap3A_12 = arith.constant 1 : index
    %swap3A_13 = arith.constant 0 : index
    %swap3A_14 = arith.constant 0 : index
    %swap3A_15 = vector.load %arg3[%swap3A_12, %swap3A_13, %swap3A_14] : memref<2x16x512xf32, #tpu.memory_space<vmem>>, vector<1x16x512xf32>
    %swap3A_16 = vector.shape_cast %swap3A_15 : vector<1x16x512xf32> to vector<16x512xf32>
    %swap3A_17 = vector.shape_cast %slice3A_11 : vector<16x512xf32> to vector<1x16x512xf32>
    tpu.vector_store %arg3[%swap3A_12, %swap3A_13, %swap3A_14], %swap3A_17 {strides = array<i32>} : memref<2x16x512xf32, #tpu.memory_space<vmem>>, vector<1x16x512xf32>,
    return
  }
  func.func @transform_0(%arg0: i32) -> (i32, i32) {
    %c0_i32 = arith.constant 0 : i32
    %c0_i32_0 = arith.constant 0 : i32
    return %arg0, %c0_i32 : i32, i32
  }
  func.func @transform_1(%arg0: i32) -> (i32, i32) {
    %c0_i32 = arith.constant 0 : i32
    %c0_i32_0 = arith.constant 0 : i32
    %c0_i32_1 = arith.constant 0 : i32
    return %c0_i32, %c0_i32_0 : i32, i32
  }
  func.func @transform_2(%arg0: i32) -> (i32, i32, i32) {
    %c0_i32 = arith.constant 0 : i32
    %c0_i32_0 = arith.constant 0 : i32
    %c0_i32_1 = arith.constant 0 : i32
    return %arg0, %c0_i32, %c0_i32_0 : i32, i32, i32
  }
}

module attributes {stable_mosaic.version = 14 : i64} {
  func.func @_zeros_kernel(%arg0: i32, %arg1: memref<1024x2048xf32, #tpu.memory_space<vmem>>) attributes {dimension_semantics = [#tpu.dimension_semantics<arbitrary>], iteration_bounds = array<i64: 16>, scalar_prefetch = 0 : i64, scratch_operands = 0 : i64, tpu.core_type = #tpu.core_type<tc>, window_params = [{transform_indices = @transform_0, window_bounds = array<i64: 1024, 2048>}]} {
    %broadcast_in_dim3A = arith.constant 0.000000e+00 : f32
    %broadcast_in_dim3A_0 = vector.broadcast %broadcast_in_dim3A : f32 to vector<1024x2048xf32>
    %swap3A = arith.constant 0 : index
    %swap3A_1 = arith.constant 0 : index
    %swap3A_2 = vector.load %arg1[%swap3A, %swap3A_1] : memref<1024x2048xf32, #tpu.memory_space<vmem>>, vector<1024x2048xf32>
    tpu.vector_store %arg1[%swap3A, %swap3A_1], %broadcast_in_dim3A_0 {strides = array<i32>} : memref<1024x2048xf32, #tpu.memory_space<vmem>>, vector<1024x2048xf32>,
    return
  }
  func.func @transform_0(%arg0: i32) -> (i32, i32) {
    %c0_i32 = arith.constant 0 : i32
    %c0_i32_0 = arith.constant 0 : i32
    return %arg0, %c0_i32 : i32, i32
  }
}

</mosaic_0001>

<sc_bundles>
// kernel: kernel.5.cloned.1.call-start
scs
__scs_entry_jumppad:
0x0: {  	(pc) =	sbr.rel $0x88, $3  }
0x1: {  	(tag) =	ssettag $0x0;
	lr =	simm.s32 $0x1  }
0x2: {  	[smem:$0x3F9F] =	sst lr;
	_ =	strace $0xD0000000  }
0x3: {  	_ = 	snop  }
0x4: {  	_ = 	snop  }
0x5: {  	_ = 	snop  }
0x6: {  	_ = 	snop  }
0x7: {  	_ = 	snop  }
__scs_overlays_trampoline_lowered:
0x8: {  	[smem:$0x3FAE] =	sst s0  }
0x9: {  	[smem:$0x3FAF] =	sst s1  }
0xa: {  	[smem:$0x3FB0] =	sst s2  }
0xb: {  	[smem:$0x3FB1] =	sst s3  }
0xc: {  	[smem:$0x3FB2] =	sst s4  }
0xd: {  	[smem:$0x3FB3] =	sst s5  }
0xe: {  	[smem:$0x3FB4] =	sst s6  }
0xf: {  	[smem:$0x3FB5] =	sst s7  }
0x10: {  	[smem:$0x3FB6] =	sst s8  }
0x11: {  	[smem:$0x3FB7] =	sst s9;
	s0 =	simm.s32 @!p0 $0x0  }
0x12: {  	s1 =	sld [smem:$0x3F9D];
	s0 =	simm.s32 @p0 $0x1  }
0x13: {  	[smem:$0x3FB8] =	sst s0;
	s0 =	simm.s32 @!p1 $0x0  }
0x14: {  	s2 =	sld [smem:$0x3F9C];
	s0 =	simm.s32 @p1 $0x1  }
0x15: {  	[smem:$0x3FB9] =	sst s0;
	s0 =	simm.s32 @!p2 $0x0  }
0x16: {  	s3 =	sld [smem:$0x3FDB];
	s0 =	simm.s32 @p2 $0x1  }
0x17: {  	s4 =	simm.s32 $0x1BF5;
	[smem:$0x3FBB] =	sst s0  }
0x18: {  	s0 =	sld [smem:$0x3F9E];
	_ =	swait.ge [sflag:s4], $0x0  }
0x19: {  	s7 =	sld [smem:$0x3F9F]  }
0x1a: {  	s8 =	sadd.s32 $0xFFFFE003, lr  }
0x1b: {  	s9 =	sadd.s32 $0xFFFFFEF7, lr;
	s5 =	simm.s32 $0xFFFFFFFF;
	p2 =	slt.u32 s8, $0xFFFFF086  }
0x1c: {  	p1 =	slt.u32 s9, $0xF7A;
	s5 =	simm.s32 @!p2 $0x0  }
0x1d: {  	s5 =	simm.s32 @p1 $0x1;
	p0 =	seq.s32 s7, s2  }
0x1e: {  	s7 =	smul.u32 @!p0 $0xF7A, s2;
	p2 =	seq.s32 @!p0 s5, $0x0  }
0x1f: {  	s9 =	smul.u32 $0xF7A, s1;
	s8 =	simm.s32 @!p0 $0x1BF5;
	p2 =	por !p2, p0  }
0x20: {  	[sflag:s8] =	ssyncset.s32 @!p0 $0xFFFFF086;
	s6 =	sadd.s32 @!p0 s3, s7;
	s7 =	simm.s32 @!p0 $0x108  }
0x21: {  	s3 =	sadd.s32 s3, s9;
	s6 =	sadd.s32 @!p0 $0x88, s6;
	s7 =	simm.s32 @p2 $0x1082  }
0x22: {  	[simem:s7], [sflag:s8] =	dma.local @!p0 [hbm:s6], $0xF7A  }
0x23: {  	s9 =	sor.u32 $0xD0000000, s2;
	s6 =	simm.s32 $0x108;
	_ =	swait.ge @!p0 [sflag:s8], $0x0  }
0x24: {  	s3 =	sadd.s32 $0x88, s3;
	s6 =	simm.s32 @!p1 $0x1082;
	[sflag:s4] =	ssyncset.s32 $0xFFFFF086  }
0x25: {  	[simem:s6], [sflag:s4] =	dma.local [hbm:s3], $0xF7A  }
0x26: {  	[smem:$0x3F9F] =	sst s1;
	(tag) =	ssettag s2;
	_ =	strace s9  }
0x27: {  	s1 =	sld [smem:$0x3FAF]  }
0x28: {  	s2 =	sld [smem:$0x3FB0]  }
0x29: {  	s4 =	sld [smem:$0x3FB2]  }
0x2a: {  	p0 =	seq.s32 s5, $0x0;
	s5 =	sld [smem:$0x3FB3]  }
0x2b: {  	s6 =	sld [smem:$0x3FB4]  }
0x2c: {  	s7 =	sld [smem:$0x3FB5]  }
0x2d: {  	s3 =	simm.s32 $0x108;
	s8 =	sld [smem:$0x3FB6]  }
0x2e: {  	s3 =	simm.s32 @!p0 $0x1082;
	s9 =	sld [smem:$0x3FB7]  }
0x2f: {  	lr =	sadd.s32 s0, s3;
	s0 =	sld [smem:$0x3FAE]  }
0x30: {  	s3 =	sld [smem:$0x3FB1]  }
0x31: {  	[smem:$0x3FBA] =	sst s10  }
0x32: {  	s10 =	sld [smem:$0x3FB8];
	_ =	sdelay $0x3  }
0x33: {  	p0 =	seq.s32 s10, $0x1;
	s10 =	sld [smem:$0x3FBA];
	_ =	sdelay $0x3  }
0x34: {  	[smem:$0x3FBA] =	sst s10  }
0x35: {  	s10 =	sld [smem:$0x3FB9];
	_ =	sdelay $0x3  }
0x36: {  	p1 =	seq.s32 s10, $0x1;
	s10 =	sld [smem:$0x3FBA];
	_ =	sdelay $0x3  }
0x37: {  	[smem:$0x3FBA] =	sst s10  }
0x38: {  	s10 =	sld [smem:$0x3FBB]  }
0x39: {  	_ = 	snop;
	(pc) =	sbr.ind lr, $3  }
0x3a: {  	_ = 	snop  }
0x3b: {  	_ = 	snop  }
0x3c: {  	p2 =	seq.s32 s10, $0x1;
	s10 =	sld [smem:$0x3FBA]  }
0x3d: {  	_ =	shalt  }
0x3e: {  	_ =	shalt  }
0x3f: {  	_ =	shalt  }
0x40: {  	_ =	shalt  }
0x41: {  	_ =	shalt  }
0x42: {  	_ =	shalt  }
0x43: {  	_ =	shalt  }
0x44: {  	_ =	shalt  }
0x45: {  	_ =	shalt  }
0x46: {  	_ =	shalt  }
0x47: {  	_ =	shalt  }
0x48: {  	_ =	shalt  }
0x49: {  	_ =	shalt  }
0x4a: {  	_ =	shalt  }
0x4b: {  	_ =	shalt  }
0x4c: {  	_ =	shalt  }
0x4d: {  	_ =	shalt  }
0x4e: {  	_ =	shalt  }
0x4f: {  	_ =	shalt  }
0x50: {  	_ =	shalt  }
0x51: {  	_ =	shalt  }
0x52: {  	_ =	shalt  }
0x53: {  	_ =	shalt  }
0x54: {  	_ =	shalt  }
0x55: {  	_ =	shalt  }
0x56: {  	_ =	shalt  }
0x57: {  	_ =	shalt  }
0x58: {  	_ =	shalt  }
0x59: {  	_ =	shalt  }
0x5a: {  	_ =	shalt  }
0x5b: {  	_ =	shalt  }
0x5c: {  	_ =	shalt  }
0x5d: {  	_ =	shalt  }
0x5e: {  	_ =	shalt  }
0x5f: {  	_ =	shalt  }
0x60: {  	_ =	shalt  }
0x61: {  	_ =	shalt  }
0x62: {  	_ =	shalt  }
0x63: {  	_ =	shalt  }
0x64: {  	_ =	shalt  }
0x65: {  	_ =	shalt  }
0x66: {  	_ =	shalt  }
0x67: {  	_ =	shalt  }
0x68: {  	_ =	shalt  }
0x69: {  	_ =	shalt  }
0x6a: {  	_ =	shalt  }
0x6b: {  	_ =	shalt  }
0x6c: {  	_ =	shalt  }
0x6d: {  	_ =	shalt  }
0x6e: {  	_ =	shalt  }
0x6f: {  	_ =	shalt  }
0x70: {  	_ =	shalt  }
0x71: {  	_ =	shalt  }
0x72: {  	_ =	shalt  }
0x73: {  	_ =	shalt  }
0x74: {  	_ =	shalt  }
0x75: {  	_ =	shalt  }
0x76: {  	_ =	shalt  }
0x77: {  	_ =	shalt  }
0x78: {  	_ =	shalt  }
0x79: {  	_ =	shalt  }
0x7a: {  	_ =	shalt  }
0x7b: {  	_ =	shalt  }
0x7c: {  	_ =	shalt  }
0x7d: {  	_ =	shalt  }
0x7e: {  	_ =	shalt  }
0x7f: {  	_ =	shalt  }
0x80: {  	_ =	shalt  }
0x81: {  	_ =	shalt  }
0x82: {  	_ =	shalt  }
0x83: {  	_ =	shalt  }
0x84: {  	_ =	shalt  }
0x85: {  	_ =	shalt  }
0x86: {  	_ =	shalt  }
0x87: {  	_ =	shalt  }
.Lfunc_end0:
.L_simem_size_0:
called_computation_lowered:
.L_overlay_start_0:
0x88: {  	s2 =	sld [smem:$0x3FD9]  }
0x89: {  	s3 =	sld [smem:$0x3FFE];
	_ =	sdelay $0x1  }
0x8a: {  	s1 =	srdreg.scid  }
0x8b: {  	s0 =	sand.u32 $0x1, s1  }
0x8c: {  	s14 =	sshll.u32 s0, $0xA;
	s2 =	sadd.s32 s3, s2  }
0x8d: {  	s2 =	sadd.s32 s2, s14  }
0x8e: {  	[smem:$0x3FC6] =	sst s2  }
0x8f: {  	_ = 	snop  }
0x90: {  	s2 =	sld [smem:$0x3FD0];
	_ =	sdelay $0x2  }
0x91: {  	s15 =	simm.s32 $0xA;
	s4 =	simm.s32 $0x10  }
0x92: {  	[smem:s4], [sflag:s15] =	dma.local [hbm:s2], $0x1  }
0x93: {  	_ =	swait.eq [sflag:s15], $0x1  }
0x94: {  	[sflag:s15] =	ssyncset.done $0x0  }
0x95: {  	[sflag:s15] =	ssyncadd.s32 $0xFFFFFFFF  }
0x96: {  	s16 =	sld [smem:$0x11];
	(tm) =	ssettm $0x1  }
0x97: {  	s17 =	sld [smem:$0x3FFB];
	_ =	sdelay $0x3  }
0x98: {  	_ =	strace s17  }
0x99: {  	s3 =	sld [smem:$0x3FFC];
	_ =	sdelay $0x3  }
0x9a: {  	_ =	strace s3  }
0x9b: {  	s3 =	sld [smem:$0x3FFD];
	_ =	sdelay $0x3  }
0x9c: {  	_ =	strace s3  }
0x9d: {  	_ =	strace $0x8FFFFFFF  }
0x9e: {  	s18 =	sld [smem:$0x3FDB];
	_ =	sdelay $0x1  }
0x9f: {  	s19 =	simm.s32 $_scs_section_size  }
0xa0: {  	s5 =	simm.s32 $_size__tile_overlayer_lowered;
	s6 =	simm.s32 $_tile_overlayer_lowered  }
0xa1: {  	s22 =	simm.s32 $0x1BFF;
	s21 =	sshll.u32 s6, $0x1;
	s3 =	sadd.s32 s19, s18  }
0xa2: {  	s7 =	simm.s32 $0x0;
	s20 =	sshll.u32 s5, $0x1;
	s5 =	sadd.s32 s21, s3  }
0xa3: {  	[timem:s7], [sflag:s22] =	dma.local [hbm:s5], s20  }
0xa4: {  	_ =	swait.ge [sflag:s22], s20  }
0xa5: {  	s4 =	ssub.s32 $0x0, s20;
	[sflag:s22] =	ssyncset.done $0x0  }
0xa6: {  	[sflag:s22] =	ssyncadd.s32 s4;
	_ =	sdelay $0x1  }
0xa7: {  	s23 =	simm.s32 $0x1B8B  }
0xa8: {  	_ =	swait.ge [sflag:s23], $0x1  }
0xa9: {  	[sflag:s23] =	ssyncset.done $0x0  }
0xaa: {  	s25 =	simm.s32 $0x1B8E;
	s24 =	sld [smem:$0x3FFE];
	[sflag:s23] =	ssyncadd.s32 $0xFFFFFFFF  }
0xab: {  	s26 =	simm.s32 $execute0_lowered;
	[smem:$0x3FD2] =	sst s25  }
0xac: {  	s5 =	sshll.u32 s26, $0x1;
	_ =	strace $0x80000046;
	[dreg:$0x1] =	wrdreg $0xFFFFFFFF  }
0xad: {  	s28 =	simm.s32 $_size_execute0_lowered;
	s3 =	sadd.s32 s3, s5;
	[dreg:$0x0] =	wrdreg $0x0  }
0xae: {  	s5 =	sshll.u32 s28, $0x1;
	[dreg:$0x2] =	wrdreg s3  }
0xaf: {  	[dreg:$0x3] =	wrdreg s5  }
0xb0: {  	[dreg:$0x4] =	wrdreg $0xC0  }
0xb1: {  	_ =	task [dreg:s7], $0x5FFFF  }
0xb2: {  	[dreg:$0x1] =	wrdreg $0xFFFFFFFF  }
0xb3: {  	[dreg:$0x0] =	wrdreg $0x60  }
0xb4: {  	[dreg:$0x2] =	wrdreg s24  }
0xb5: {  	[dreg:$0x3] =	wrdreg s16  }
0xb6: {  	[dreg:$0x4] =	wrdreg $0x9  }
0xb7: {  	_ =	task.clear_ibuf [dreg:s7], $0x5FFFF;
	_ =	strace $0x90000046  }
0xb8: {  	s29 =	simm.s32 $0x9;
	_ =	strace $0x80000048  }
0xb9: {  	_ =	swait.ge [sflag:s29], $0x1  }
0xba: {  	[sflag:s29] =	ssyncadd.s32 $0xFFFFFFFF  }
0xbb: {  	_ =	strace $0x90000048  }
0xbc: {  	_ =	sfence  }
0xbd: {  	s30 =	sld [smem:$0x0];
	_ =	sdelay $0x2  }
0xbe: {  	s31 =	sshll.u32 s1, $0xD;
	s1 =	sshrl.u32 s1, $0x2  }
0xbf: {  	s3 =	sand.u32 $0x4000, s31;
	s1 =	sadd.s32 s1, s30  }
0xc0: {  	s0 =	sor.u32 s3, s0;
	s1 =	sshll.u32 s1, $0x11  }
0xc1: {  	s0 =	sor.u32 s1, s0  }
0xc2: {  	s0 =	sadd.s32 $0x8F2B, s0  }
0xc3: {  	[sflag:s0] =	ssyncadd.remote.s32 $0x1  }
0xc4: {  	_ =	sfence.sel $0xFFFF  }
0xc5: {  	[dreg:$0x0] =	wrdreg $0xFFFFFFFF;
	(pc) =	sbr.abs _section_cstart, $3  }
0xc6: {  	[dreg:$0x1] =	wrdreg $0xFFFFFFFF  }
0xc7: {  	_ =	task.clear_ibuf [dreg:s7], $0x2FFFF;
	_ =	strace $0x9FFFFFFF  }
0xc8: {  	(tm) =	ssettm $0x7FFFFFFF  }
0xc9: {  	_ =	shalt  }
tec
execute0_lowered:
.L_overlay_start_1:
0x0: {  	(tag) =	ssettag $0x1  }
0x1: {  	s3 =	rddreg [dreg:$0x0]  }
0x2: {  	s4 =	rddreg [dreg:$0x1]  }
0x3: {  	s0 =	rddreg [dreg:$0x2];
	s5 =	srdreg.scid  }
0x4: {  	s1 =	stileid.u32;
	s2 =	simm.s32 $0x0;
	s8 =	simm.s32 $0x8000  }
0x5: {  	s9 =	simm.s32 $0x2000;
	s5 =	sand.u32 $0x1, s5;
	s6 =	sshll.u32 s1, $0x1  }
0x6: {  	s10 =	simm.s32 $0x0;
	[smem:$0x7FF] =	sst s2;
	s6 =	sor.u32 s5, s6  }
0x7: {  	_ =	strace $0x80000047;
	s5 =	ssub.s32 $0x2, s5;
	s7 =	sshll.u32 s6, $0xA  }
0x8: {  	s31 =	sshrl.u32 s5, $0x1;
	s6 =	sshll.u32 s6, $0x7;
	s3 =	sadd.s32 s7, s3  }
0x9: {  	s5 =	ssub.s32 s5, s31;
	s4 =	sadd.s32 s4, s6;
	s6 =	simm.s32 $0x1  }
0xa: {  	v0 =	vimm.s32 $0x0;
	v1 =	vimm.f32 $0.0e+00;
	s7 =	simm.s32 $0x400;
	s3 =	sadd.s32 $0x800, s3;
	s5 =	smax.u32 s5, $0x1  }
.LBB2_1:
0xb: {  	[tilespmem:s2], [sflag:$0x1] =	stream.linear.gather [hbm4b:s3+s2], $0x2000, $0x38;
	[tilespmem:$0x6000] =	vst v63  }
0xc: {  	s12 =	simm.s32 $0x0;
	_ =	swait.ge [sflag:s6], $0x2000  }
0xd: {  	s11 =	sand.u32 $0x70, s2;
	s12 =	sand.u32 $0x3FFFFC00, s12;
	[sflag:s6] =	ssyncset.done $0x0  }
0xe: {  	s12 =	sor.u32 s11, s12;
	[sflag:s6] =	ssyncadd.s32 $0xFFFFE000  }
0xf: {  	v5 =	vld [tilespmem:s12+$0x0]  }
0x10: {  	v6 =	vld [tilespmem:s12+$0x80];
	_ =	sdelay $0x1  }
0x11: {  	v7 =	vld [tilespmem:s12+$0x100];
	_ =	sdelay $0x1  }
0x12: {  	v8 =	vld [tilespmem:s12+$0x180]  }
0x13: {  	vm0 =	vgt.f32 v6, v5  }
0x14: {  	v9 =	vld [tilespmem:s12+$0x200];
	v2 =	vsel vm0, v6, v5  }
0x15: {  	vm1 =	vgt.f32 v7, v2  }
0x16: {  	v10 =	vld [tilespmem:s12+$0x280];
	v2 =	vsel vm1, v7, v2  }
0x17: {  	vm2 =	vgt.f32 v8, v2  }
0x18: {  	v11 =	vld [tilespmem:s12+$0x300];
	v2 =	vsel vm2, v8, v2  }
0x19: {  	vm3 =	vgt.f32 v9, v2  }
0x1a: {  	v12 =	vld [tilespmem:s12+$0x380];
	v2 =	vsel vm3, v9, v2  }
0x1b: {  	vm4 =	vgt.f32 v10, v2  }
0x1c: {  	v13 =	vld [tilespmem:s12+$0x1000];
	v2 =	vsel vm4, v10, v2  }
0x1d: {  	vm5 =	vgt.f32 v11, v2  }
0x1e: {  	v14 =	vld [tilespmem:s12+$0x1080];
	v2 =	vsel vm5, v11, v2  }
0x1f: {  	vm6 =	vgt.f32 v12, v2  }
0x20: {  	v15 =	vld [tilespmem:s12+$0x1100];
	v2 =	vsel vm6, v12, v2  }
0x21: {  	vm7 =	vgt.f32 v13, v2  }
0x22: {  	v16 =	vld [tilespmem:s12+$0x1180];
	v3 =	vsel vm0, $0x1, v0;
	v2 =	vsel vm7, v13, v2  }
0x23: {  	v3 =	vsel vm1, $0x2, v3;
	vm0 =	vgt.f32 v14, v2  }
0x24: {  	v17 =	vld [tilespmem:s12+$0x1200];
	v3 =	vsel vm2, $0x3, v3;
	v2 =	vsel vm0, v14, v2  }
0x25: {  	v3 =	vsel vm3, $0x4, v3;
	vm1 =	vgt.f32 v15, v2  }
0x26: {  	v4 =	vld [tilespmem:s12+$0x1280];
	v3 =	vsel vm4, $0x5, v3;
	v18 =	vsel vm1, v15, v2  }
0x27: {  	v2 =	vsel vm5, $0x6, v3;
	vm2 =	vgt.f32 v16, v18  }
0x28: {  	v3 =	vsel vm6, $0x7, v2;
	v2 =	vld [tilespmem:s12+$0x1300];
	v18 =	vsel vm2, v16, v18  }
0x29: {  	v3 =	vsel vm7, $0x8, v3;
	vm3 =	vgt.f32 v17, v18  }
0x2a: {  	v19 =	vsel vm0, $0x9, v3;
	v3 =	vld [tilespmem:s12+$0x1380];
	v18 =	vsel vm3, v17, v18  }
0x2b: {  	v19 =	vsel vm1, $0xA, v19;
	vm0 =	vgt.f32 v4, v18  }
0x2c: {  	v19 =	vsel vm2, $0xB, v19;
	v18 =	vsel vm0, v4, v18  }
0x2d: {  	v19 =	vsel vm3, $0xC, v19;
	vm1 =	vgt.f32 v2, v18  }
0x2e: {  	v19 =	vsel vm0, $0xD, v19;
	v18 =	vsel vm1, v2, v18  }
0x2f: {  	v19 =	vsel vm1, $0xE, v19;
	vm0 =	vgt.f32 v3, v18  }
0x30: {  	vm2 =	vgt.f32 v5, $-Inf;
	vm1 =	vlt.f32 v5, $-Inf;
	v18 =	vsel vm0, $0xF, v19  }
0x31: {  	vm0 =	vmor vm2, vm1;
	vm1 =	vne.s32 v18, $0x0  }
0x32: {  	vm0 =	vmand vm0, vm1  }
0x33: {  	v5 =	vnsel vm0, $0xFF800000, v5  }
0x34: {  	vm0 =	vne.s32 v18, $0x1;
	vm1 =	vgt.f32 v6, v5  }
0x35: {  	vm7 =	vmand vm0, vm1  }
0x36: {  	v5 =	vsel vm7, v6, v5  }
0x37: {  	vm0 =	vne.s32 v18, $0x2;
	vm1 =	vgt.f32 v7, v5  }
0x38: {  	vm5 =	vmand vm0, vm1  }
0x39: {  	v5 =	vsel vm5, v7, v5  }
0x3a: {  	vm0 =	vne.s32 v18, $0x3;
	vm1 =	vgt.f32 v8, v5  }
0x3b: {  	vm6 =	vmand vm0, vm1  }
0x3c: {  	v5 =	vsel vm6, v8, v5  }
0x3d: {  	vm0 =	vne.s32 v18, $0x4;
	vm1 =	vgt.f32 v9, v5  }
0x3e: {  	vm2 =	vmand vm0, vm1  }
0x3f: {  	v5 =	vsel vm2, v9, v5  }
0x40: {  	vm0 =	vne.s32 v18, $0x5;
	vm1 =	vgt.f32 v10, v5  }
0x41: {  	vm0 =	vmand vm0, vm1  }
0x42: {  	v5 =	vsel vm0, v10, v5  }
0x43: {  	vm1 =	vne.s32 v18, $0x6;
	vm3 =	vgt.f32 v11, v5  }
0x44: {  	vm1 =	vmand vm1, vm3  }
0x45: {  	vm9 =	veq.s32 v18, $0xA;
	vm8 =	veq.s32 v18, $0x7;
	v5 =	vsel vm1, v11, v5  }
0x46: {  	vm13 =	veq.s32 v18, $0x4;
	vm3 =	vne.s32 v18, $0x7;
	vm12 =	vgt.f32 v12, v5  }
0x47: {  	vm10 =	veq.s32 v18, $0x5;
	vm14 =	vne.s32 v18, $0x8;
	vm3 =	vmand vm3, vm12  }
0x48: {  	vm15 =	veq.s32 v18, $0x6;
	v45 =	vsel vm13, $0x3F800000, v1;
	v5 =	vsel vm3, v12, v5  }
0x49: {  	v46 =	vsel vm10, $0x3F800000, v1;
	v47 =	vsel vm15, $0x3F800000, v1;
	vm11 =	vgt.f32 v13, v5  }
0x4a: {  	v48 =	vsel vm8, $0x3F800000, v1;
	vm10 =	vne.s32 v18, $0x9;
	vm4 =	vmand vm14, vm11  }
0x4b: {  	vm13 =	veq.s32 v18, $0x2;
	v51 =	vsel vm9, $0x3F800000, v1;
	v5 =	vsel vm4, v13, v5  }
0x4c: {  	v52 =	vsel vm13, $0x3F800000, v1;
	vm13 =	vne.s32 v18, $0xB;
	vm11 =	vgt.f32 v14, v5  }
0x4d: {  	v53 =	vsel vm7, $0x1, v0;
	vm12 =	veq.s32 v18, $0x8;
	vm8 =	vmand vm10, vm11  }
0x4e: {  	vm7 =	veq.s32 v18, $0xC;
	v49 =	vsel vm12, $0x3F800000, v1;
	v5 =	vsel vm8, v14, v5  }
0x4f: {  	s31 =	simm.s32 $0x0;
	vm12 =	veq.s32 v18, $0x9;
	vm14 =	vne.s32 v18, $0xA;
	vm15 =	vgt.f32 v15, v5  }
0x50: {  	s12 =	sand.u32 $0x3FFFFF00, s31;
	v50 =	vsel vm12, $0x3F800000, v1;
	vm12 =	veq.s32 v18, $0xB;
	vm9 =	vmand vm14, vm15  }
0x51: {  	s13 =	sor.u32 s11, s12;
	v54 =	vsel vm12, $0x3F800000, v1;
	vm12 =	veq.s32 v18, $0xE;
	v5 =	vsel vm9, v15, v5  }
0x52: {  	[tilespmem:s13+$0x3000] =	vst v45;
	v58 =	vsel vm7, $0x3F800000, v1;
	v59 =	vsel vm12, $0x3F800000, v1;
	vm14 =	vgt.f32 v16, v5  }
0x53: {  	[tilespmem:s13+$0x3800] =	vst v47;
	vm10 =	veq.s32 v18, $0x0;
	v14 =	vsel vm5, $0x2, v53;
	vm5 =	vmand vm13, vm14  }
0x54: {  	[tilespmem:s13+$0x3400] =	vst v46;
	v56 =	vsel vm10, $0x3F800000, v1;
	v55 =	vsel vm6, $0x3, v14;
	v5 =	vsel vm5, v16, v5  }
0x55: {  	[tilespmem:s13+$0x4800] =	vst v51;
	v6 =	vsel vm2, $0x4, v55;
	vm2 =	vne.s32 v18, $0xC;
	vm13 =	vgt.f32 v17, v5  }
0x56: {  	[tilespmem:s13+$0x3C00] =	vst v48;
	vm15 =	veq.s32 v18, $0xD;
	v6 =	vsel vm0, $0x5, v6;
	vm0 =	vmand vm2, vm13  }
0x57: {  	[tilespmem:s13+$0x2800] =	vst v52;
	v57 =	vsel vm15, $0x3F800000, v1;
	v6 =	vsel vm1, $0x6, v6;
	v5 =	vsel vm0, v17, v5  }
0x58: {  	[tilespmem:s13+$0x5000] =	vst v58;
	vm1 =	vne.s32 v18, $0xD;
	v6 =	vsel vm3, $0x7, v6;
	vm3 =	vgt.f32 v4, v5  }
0x59: {  	[tilespmem:s13+$0x4000] =	vst v49;
	vm14 =	veq.s32 v18, $0xF;
	v6 =	vsel vm4, $0x8, v6;
	vm1 =	vmand vm1, vm3  }
0x5a: {  	[tilespmem:s13+$0x4400] =	vst v50;
	v61 =	vsel vm14, $0x3F800000, v1;
	v6 =	vsel vm8, $0x9, v6;
	v4 =	vsel vm1, v4, v5  }
0x5b: {  	[tilespmem:s13+$0x4C00] =	vst v54;
	v60 =	vsel vm9, $0xA, v6;
	vm3 =	vne.s32 v18, $0xE;
	vm15 =	vgt.f32 v2, v4  }
0x5c: {  	[tilespmem:s13+$0x5800] =	vst v59;
	vm2 =	veq.s32 v18, $0x1;
	v5 =	vsel vm5, $0xB, v60;
	vm3 =	vmand vm3, vm15  }
0x5d: {  	[tilespmem:s13+$0x2000] =	vst v56;
	v62 =	vsel vm2, $0x3F800000, v1;
	v5 =	vsel vm0, $0xC, v5;
	v2 =	vsel vm3, v2, v4  }
0x5e: {  	[tilespmem:s13+$0x5400] =	vst v57;
	vm0 =	vne.s32 v18, $0xF;
	v63 =	vsel vm1, $0xD, v5;
	vm1 =	vgt.f32 v3, v2  }
0x5f: {  	[tilespmem:s13+$0x5C00] =	vst v61;
	vm2 =	veq.s32 v18, $0x3;
	v2 =	vsel vm3, $0xE, v63;
	vm0 =	vmand vm0, vm1  }
0x60: {  	[tilespmem:s13+$0x2400] =	vst v62;
	v3 =	vsel vm2, $0x3F800000, v1;
	v2 =	vsel vm0, $0xF, v2  }
0x61: {  	s11 =	simm.s32 $0x1;
	s12 =	simm.s32 $0x0;
	[tilespmem:s13+$0x2C00] =	vst v3;
	vm1 =	veq.s32 v2, $0x0;
	vm2 =	veq.s32 v2, $0x1;
	vm0 =	veq.s32 v2, $0xF  }
.LBB2_2:
0x62: {  	p0 =	sne.s32 s11, $0x1F  }
0x63: {  	v3 =	vsel vm1, $0x3F800000, v1;
	v4 =	vsel vm2, $0x3F800000, v1;
	vm1 =	veq.s32 v2, $0x3;
	s12 =	sadd.s32 $0x10, s12;
	s14 =	smov.u32 s11;
	s11 =	sadd.s32 $0x1, s11  }
0x64: {  	v5 =	vsel vm0, $0x3F800000, v1;
	[tilespmem:s13+$0x2080] =	vst v3;
	v3 =	vsel vm1, $0x3F800000, v1;
	vm1 =	veq.s32 v2, $0xE  }
0x65: {  	vm0 =	veq.s32 v2, $0x2;
	vm2 =	veq.s32 v2, $0x4;
	vm3 =	veq.s32 v2, $0xD;
	[tilespmem:s13+$0x2480] =	vst v4  }
0x66: {  	v4 =	vsel vm0, $0x3F800000, v1;
	vm0 =	veq.s32 v2, $0xC;
	[tilespmem:s13+$0x2C80] =	vst v3;
	v3 =	vsel vm2, $0x3F800000, v1  }
0x67: {  	vm4 =	veq.s32 v2, $0xB;
	vm2 =	veq.s32 v2, $0x5;
	[tilespmem:s13+$0x2880] =	vst v4;
	v4 =	vsel vm1, $0x3F800000, v1  }
0x68: {  	vm1 =	veq.s32 v2, $0x6;
	[tilespmem:s13+$0x3080] =	vst v3;
	v3 =	vsel vm2, $0x3F800000, v1;
	vm2 =	veq.s32 v2, $0x8  }
0x69: {  	v8 =	vsel vm0, $0x3F800000, v1;
	v6 =	vsel vm1, $0x3F800000, v1;
	v7 =	vsel vm2, $0x3F800000, v1;
	[tilespmem:s13+$0x5C80] =	vst v5  }
0x6a: {  	vm0 =	veq.s32 v2, $0x7;
	v5 =	vsel vm4, $0x3F800000, v1;
	[tilespmem:s13+$0x5080] =	vst v8;
	v8 =	vsel vm3, $0x3F800000, v1  }
0x6b: {  	v9 =	vsel vm0, $0x3F800000, v1;
	vm0 =	veq.s32 v2, $0x9;
	vm1 =	veq.s32 v2, $0xA;
	[tilespmem:s13+$0x4C80] =	vst v5  }
0x6c: {  	v2 =	vsel vm0, $0x3F800000, v1;
	v5 =	vsel vm1, $0x3F800000, v1;
	[tilespmem:s13+$0x3C80] =	vst v9  }
0x6d: {  	[tilespmem:s13+$0x4880] =	vst v5  }
0x6e: {  	[tilespmem:s13+$0x5480] =	vst v8  }
0x6f: {  	[tilespmem:s13+$0x4080] =	vst v7  }
0x70: {  	[tilespmem:s13+$0x5880] =	vst v4  }
0x71: {  	s16 =	sshll.u32 s14, $0x7;
	[tilespmem:s13+$0x4480] =	vst v2  }
0x72: {  	s15 =	sand.u32 $0x70, s12;
	s16 =	sand.u32 $0x3FFFFC00, s16;
	[tilespmem:s13+$0x3880] =	vst v6  }
0x73: {  	s16 =	sor.u32 s15, s16;
	[tilespmem:s13+$0x3480] =	vst v3  }
0x74: {  	v17 =	vld [tilespmem:s16+$0x0]  }
0x75: {  	v18 =	vld [tilespmem:s16+$0x80];
	_ =	sdelay $0x1  }
0x76: {  	v16 =	vld [tilespmem:s16+$0x100];
	_ =	sdelay $0x1  }
0x77: {  	v15 =	vld [tilespmem:s16+$0x180];
	vm0 =	vlt.f32 v17, $-Inf;
	vm2 =	vgt.f32 v17, $-Inf  }
0x78: {  	vm1 =	vgt.f32 v18, v17;
	vm0 =	vmor vm2, vm0  }
0x79: {  	v14 =	vld [tilespmem:s16+$0x200];
	v2 =	vsel vm1, v18, v17  }
0x7a: {  	vm2 =	vgt.f32 v16, v2  }
0x7b: {  	v13 =	vld [tilespmem:s16+$0x280];
	v2 =	vsel vm2, v16, v2  }
0x7c: {  	vm3 =	vgt.f32 v15, v2  }
0x7d: {  	v11 =	vld [tilespmem:s16+$0x300];
	v2 =	vsel vm3, v15, v2  }
0x7e: {  	vm4 =	vgt.f32 v14, v2  }
0x7f: {  	v10 =	vld [tilespmem:s16+$0x380];
	v2 =	vsel vm4, v14, v2  }
0x80: {  	vm5 =	vgt.f32 v13, v2  }
0x81: {  	v9 =	vld [tilespmem:s16+$0x1000];
	v2 =	vsel vm5, v13, v2  }
0x82: {  	vm6 =	vgt.f32 v11, v2  }
0x83: {  	v8 =	vld [tilespmem:s16+$0x1080];
	v2 =	vsel vm6, v11, v2  }
0x84: {  	vm7 =	vgt.f32 v10, v2  }
0x85: {  	v7 =	vld [tilespmem:s16+$0x1100];
	v2 =	vsel vm7, v10, v2  }
0x86: {  	v3 =	vsel vm1, $0x1, v0;
	vm1 =	vgt.f32 v9, v2  }
0x87: {  	v3 =	vsel vm2, $0x2, v3;
	v6 =	vld [tilespmem:s16+$0x1180];
	v2 =	vsel vm1, v9, v2  }
0x88: {  	v3 =	vsel vm3, $0x3, v3;
	vm2 =	vgt.f32 v8, v2  }
0x89: {  	v3 =	vsel vm4, $0x4, v3;
	v5 =	vld [tilespmem:s16+$0x1200];
	v2 =	vsel vm2, v8, v2  }
0x8a: {  	v4 =	vsel vm5, $0x5, v3;
	vm3 =	vgt.f32 v7, v2  }
0x8b: {  	v4 =	vsel vm6, $0x6, v4;
	v3 =	vld [tilespmem:s16+$0x1280];
	v12 =	vsel vm3, v7, v2  }
0x8c: {  	v4 =	vsel vm7, $0x7, v4;
	vm4 =	vgt.f32 v6, v12  }
0x8d: {  	v4 =	vsel vm1, $0x8, v4;
	v2 =	vld [tilespmem:s16+$0x1300];
	v12 =	vsel vm4, v6, v12  }
0x8e: {  	v19 =	vsel vm2, $0x9, v4;
	vm1 =	vgt.f32 v5, v12  }
0x8f: {  	v19 =	vsel vm3, $0xA, v19;
	v4 =	vld [tilespmem:s16+$0x1380];
	v12 =	vsel vm1, v5, v12  }
0x90: {  	v19 =	vsel vm4, $0xB, v19;
	vm2 =	vgt.f32 v3, v12  }
0x91: {  	v19 =	vsel vm1, $0xC, v19;
	v12 =	vsel vm2, v3, v12  }
0x92: {  	v19 =	vsel vm2, $0xD, v19;
	vm1 =	vgt.f32 v2, v12  }
0x93: {  	v12 =	vsel vm1, v2, v12;
	v19 =	vsel vm1, $0xE, v19  }
0x94: {  	vm1 =	vgt.f32 v4, v12  }
0x95: {  	v12 =	vsel vm1, $0xF, v19  }
0x96: {  	vm1 =	vne.s32 v12, $0x0;
	vm4 =	veq.s32 v12, $0x0;
	vm2 =	veq.s32 v12, $0xA  }
0x97: {  	vm3 =	veq.s32 v12, $0x2;
	vm0 =	vmand vm0, vm1;
	vm1 =	veq.s32 v12, $0x7  }
0x98: {  	s13 =	sshll.u32 s14, $0x5;
	vm5 =	veq.s32 v12, $0x4;
	v17 =	vnsel vm0, $0xFF800000, v17;
	vm0 =	vne.s32 v12, $0x1  }
0x99: {  	s13 =	sand.u32 $0x3FFFFF00, s13;
	vm7 =	veq.s32 v12, $0x5;
	vm8 =	veq.s32 v12, $0x6;
	vm6 =	vgt.f32 v18, v17  }
0x9a: {  	s13 =	sor.u32 s15, s13;
	v19 =	vsel vm5, $0x3F800000, v1;
	v20 =	vsel vm7, $0x3F800000, v1;
	vm0 =	vmand vm0, vm6  }
0x9b: {  	vm5 =	vne.s32 v12, $0x2;
	v17 =	vsel vm0, v18, v17;
	[tilespmem:s13+$0x3000] =	vst v19;
	v18 =	vsel vm8, $0x3F800000, v1  }
0x9c: {  	vm7 =	veq.s32 v12, $0x8;
	vm6 =	vgt.f32 v16, v17;
	[tilespmem:s13+$0x3800] =	vst v18;
	v18 =	vsel vm1, $0x3F800000, v1  }
0x9d: {  	v19 =	vsel vm7, $0x3F800000, v1;
	vm1 =	vmand vm5, vm6;
	[tilespmem:s13+$0x3400] =	vst v20;
	vm5 =	veq.s32 v12, $0x9  }
0x9e: {  	vm6 =	vne.s32 v12, $0x3;
	v16 =	vsel vm1, v16, v17;
	[tilespmem:s13+$0x4000] =	vst v19;
	v17 =	vsel vm5, $0x3F800000, v1  }
0x9f: {  	vm7 =	veq.s32 v12, $0xB;
	vm5 =	vgt.f32 v15, v16;
	[tilespmem:s13+$0x4400] =	vst v17;
	v17 =	vsel vm2, $0x3F800000, v1  }
0xa0: {  	v19 =	vsel vm3, $0x3F800000, v1;
	vm2 =	vmand vm6, vm5;
	[tilespmem:s13+$0x4800] =	vst v17;
	v17 =	vsel vm7, $0x3F800000, v1  }
0xa1: {  	vm3 =	vne.s32 v12, $0x4;
	vm5 =	veq.s32 v12, $0xC;
	v15 =	vsel vm2, v15, v16;
	[tilespmem:s13+$0x4C00] =	vst v17  }
0xa2: {  	vm8 =	veq.s32 v12, $0xE;
	vm7 =	veq.s32 v12, $0xD;
	vm6 =	vgt.f32 v14, v15;
	[tilespmem:s13+$0x3C00] =	vst v18  }
0xa3: {  	v16 =	vsel vm4, $0x3F800000, v1;
	v17 =	vsel vm7, $0x3F800000, v1;
	vm3 =	vmand vm3, vm6;
	[tilespmem:s13+$0x2800] =	vst v19  }
0xa4: {  	vm4 =	vne.s32 v12, $0x5;
	v14 =	vsel vm3, v14, v15;
	[tilespmem:s13+$0x2000] =	vst v16;
	v15 =	vsel vm5, $0x3F800000, v1  }
0xa5: {  	vm7 =	veq.s32 v12, $0xF;
	vm6 =	veq.s32 v12, $0x1;
	vm5 =	vgt.f32 v13, v14;
	[tilespmem:s13+$0x5400] =	vst v17  }
0xa6: {  	v16 =	vsel vm7, $0x3F800000, v1;
	vm4 =	vmand vm4, vm5;
	[tilespmem:s13+$0x5000] =	vst v15;
	v15 =	vsel vm8, $0x3F800000, v1  }
0xa7: {  	vm5 =	vne.s32 v12, $0x6;
	v13 =	vsel vm4, v13, v14;
	v14 =	vsel vm6, $0x3F800000, v1;
	[tilespmem:s13+$0x5800] =	vst v15  }
0xa8: {  	vm7 =	veq.s32 v12, $0x3;
	vm6 =	vgt.f32 v11, v13;
	[tilespmem:s13+$0x2400] =	vst v14  }
0xa9: {  	v14 =	vsel vm7, $0x3F800000, v1;
	vm5 =	vmand vm5, vm6;
	[tilespmem:s13+$0x5C00] =	vst v16  }
0xaa: {  	vm6 =	vne.s32 v12, $0x7;
	v11 =	vsel vm5, v11, v13;
	[tilespmem:s13+$0x2C00] =	vst v14  }
0xab: {  	vm7 =	vgt.f32 v10, v11  }
0xac: {  	vm6 =	vmand vm6, vm7  }
0xad: {  	vm7 =	vne.s32 v12, $0x8;
	v10 =	vsel vm6, v10, v11  }
0xae: {  	vm8 =	vgt.f32 v9, v10  }
0xaf: {  	vm7 =	vmand vm7, vm8  }
0xb0: {  	vm8 =	vne.s32 v12, $0x9;
	v9 =	vsel vm7, v9, v10  }
0xb1: {  	vm9 =	vgt.f32 v8, v9  }
0xb2: {  	vm8 =	vmand vm8, vm9  }
0xb3: {  	vm9 =	vne.s32 v12, $0xA;
	v8 =	vsel vm8, v8, v9  }
0xb4: {  	vm10 =	vgt.f32 v7, v8  }
0xb5: {  	vm9 =	vmand vm9, vm10  }
0xb6: {  	v9 =	vsel vm0, $0x1, v0;
	vm0 =	vne.s32 v12, $0xB;
	v7 =	vsel vm9, v7, v8  }
0xb7: {  	v8 =	vsel vm1, $0x2, v9;
	vm1 =	vgt.f32 v6, v7  }
0xb8: {  	v8 =	vsel vm2, $0x3, v8;
	vm0 =	vmand vm0, vm1  }
0xb9: {  	v8 =	vsel vm3, $0x4, v8;
	vm1 =	vne.s32 v12, $0xC;
	v6 =	vsel vm0, v6, v7  }
0xba: {  	v7 =	vsel vm4, $0x5, v8;
	vm2 =	vgt.f32 v5, v6  }
0xbb: {  	v7 =	vsel vm5, $0x6, v7;
	vm1 =	vmand vm1, vm2  }
0xbc: {  	v7 =	vsel vm6, $0x7, v7;
	vm2 =	vne.s32 v12, $0xD;
	v5 =	vsel vm1, v5, v6  }
0xbd: {  	v6 =	vsel vm7, $0x8, v7;
	vm3 =	vgt.f32 v3, v5  }
0xbe: {  	v6 =	vsel vm8, $0x9, v6;
	vm2 =	vmand vm2, vm3  }
0xbf: {  	v6 =	vsel vm9, $0xA, v6;
	vm3 =	vne.s32 v12, $0xE;
	v3 =	vsel vm2, v3, v5  }
0xc0: {  	v5 =	vsel vm0, $0xB, v6;
	vm0 =	vgt.f32 v2, v3  }
0xc1: {  	v5 =	vsel vm1, $0xC, v5;
	vm0 =	vmand vm3, vm0  }
.Ltmp0:
0xc2: {  	vm1 =	vne.s32 v12, $0xF;
	v5 =	vsel vm2, $0xD, v5;
	v2 =	vsel vm0, v2, v3;
	(pc) =	sbr.rel @p0 .LBB2_2-.Ltmp0, $4  }
0xc3: {  	v3 =	vsel vm0, $0xE, v5;
	vm0 =	vgt.f32 v4, v2  }
0xc4: {  	vm0 =	vmand vm1, vm0  }
0xc5: {  	v2 =	vsel vm0, $0xF, v3  }
0xc6: {  	vm1 =	veq.s32 v2, $0x0;
	vm2 =	veq.s32 v2, $0x1;
	vm0 =	veq.s32 v2, $0xF  }
0xc7: {  	v3 =	vsel vm1, $0x3F800000, v1  }
0xc8: {  	v4 =	vsel vm2, $0x3F800000, v1;
	[tilespmem:s13+$0x2080] =	vst v3  }
0xc9: {  	vm15 =	veq.s32 v2, $0x3;
	v60 =	vsel vm0, $0x3F800000, v1;
	[tilespmem:s13+$0x2480] =	vst v4  }
0xca: {  	vm4 =	veq.s32 v2, $0x2;
	vm5 =	veq.s32 v2, $0x4;
	v3 =	vsel vm15, $0x3F800000, v1;
	[tilespmem:s13+$0x5C80] =	vst v60  }
0xcb: {  	vm6 =	veq.s32 v2, $0xC;
	vm7 =	veq.s32 v2, $0xB;
	v59 =	vsel vm4, $0x3F800000, v1;
	[tilespmem:s13+$0x2C80] =	vst v3  }
0xcc: {  	vm8 =	veq.s32 v2, $0x7;
	vm10 =	veq.s32 v2, $0xD;
	v61 =	vsel vm7, $0x3F800000, v1;
	[tilespmem:s13+$0x2880] =	vst v59  }
0xcd: {  	vm9 =	veq.s32 v2, $0xA;
	vm12 =	veq.s32 v2, $0xE;
	v62 =	vsel vm10, $0x3F800000, v1;
	[tilespmem:s13+$0x4C80] =	vst v61  }
0xce: {  	vm11 =	veq.s32 v2, $0x8;
	vm14 =	veq.s32 v2, $0x6;
	v63 =	vsel vm12, $0x3F800000, v1;
	[tilespmem:s13+$0x5480] =	vst v62  }
0xcf: {  	vm13 =	veq.s32 v2, $0x9;
	vm15 =	veq.s32 v2, $0x5;
	v2 =	vsel vm14, $0x3F800000, v1;
	[tilespmem:s13+$0x5880] =	vst v63  }
0xd0: {  	v3 =	vsel vm5, $0x3F800000, v1;
	[tilespmem:s13+$0x3880] =	vst v2  }
0xd1: {  	[tilespmem:s13+$0x3080] =	vst v3;
	v3 =	vsel vm6, $0x3F800000, v1  }
0xd2: {  	[tilespmem:s13+$0x5080] =	vst v3;
	v3 =	vsel vm8, $0x3F800000, v1  }
0xd3: {  	[tilespmem:s13+$0x3C80] =	vst v3;
	v3 =	vsel vm9, $0x3F800000, v1  }
0xd4: {  	[tilespmem:s13+$0x4880] =	vst v3;
	v3 =	vsel vm11, $0x3F800000, v1  }
0xd5: {  	s10 =	sadd.s32 $0x1, s10;
	[tilespmem:s13+$0x4080] =	vst v3;
	v3 =	vsel vm13, $0x3F800000, v1  }
0xd6: {  	p0 =	sne.s32 s10, s5;
	[tilespmem:s13+$0x4480] =	vst v3;
	v3 =	vsel vm15, $0x3F800000, v1  }
.Ltmp1:
0xd7: {  	[tilespmem:s13+$0x3480] =	vst v3;
	(pc) =	sbr.rel @p0 .LBB2_1-.Ltmp1, $4  }
0xd8: {  	[hbm4b:s4+s7] =	stream.strided.scatter [tilespmem:s9], [sflag:$0x1], $0x4000, s8, s7, $0x38;
	[tilespmem:$0x6000] =	vst v63  }
0xd9: {  	_ =	swait.ge [sflag:s6], $0x4000  }
0xda: {  	[sflag:s6] =	ssyncset.done $0x0  }
0xdb: {  	[sflag:s6] =	ssyncadd.s32 $0xFFFFC000  }
0xdc: {  	_ =	sfence.sel $0x180000  }
0xdd: {  	[bflag:$0x0] =	sbarrier.arrive $0xFFFF  }
0xde: {  	p0 =	sne.s32 s1, $0x0;
	_ =	strace $0x90000047  }
0xdf: {  	s0 =	sadd.s32 @!p0 $0x100000, s0;
	[bflag:$0x2] =	sbarrier.arrive $0xFFFF  }
0xe0: {  	[sflag:s0] =	ssyncadd.tile.s32 @!p0 $0x1;
	_ =	shalt  }
.Lfunc_end2:
_tile_overlayer_lowered:
.L_overlay_start_2:
0xe1: {  	(tag) =	ssettag $0x2  }
0xe2: {  	s0 =	rddreg [dreg:$0x0];
	s2 =	stileid.u32  }
0xe3: {  	s1 =	rddreg [dreg:$0x1];
	p0 =	sne.s32 s2, $0x0  }
0xe4: {  	s3 =	rddreg [dreg:$0x2];
	[bflag:$0x3] =	sbarrier.arrive $0xFFFF;
	s2 =	simm.s32 @!p0 $0x1C01  }
0xe5: {  	[timem:s3], [sflag:s2] =	dma.local @!p0 [hbm:s0], s1  }
0xe6: {  	s0 =	simm.s32 @!p0 $0x1  }
0xe7: {  	_ =	swait.ge @!p0 [sflag:s0], s1  }
0xe8: {  	s1 =	ssub.s32 @!p0 $0x0, s1;
	[sflag:s0] =	ssyncset.done @!p0 $0x0  }
0xe9: {  	[sflag:s0] =	ssyncadd.s32 @!p0 s1  }
0xea: {  	[bflag:$0x3] =	sbarrier.arrive $0xFFFF  }
0xeb: {  	_ =	shalt  }

</sc_bundles>
